<compile_context>
chip_gen: v7x
topology: tpu7x:2x2x1
jax: 0.10.2.dev20260603
libtpu: 0.0.44.dev20260713+nightly
codegen_flags: <defaults>
</compile_context>

<pallas_src>
import functools

import jax
import jax.numpy as jnp
from jax import lax
from jax.experimental import pallas as pl
from jax.experimental.pallas import tpu as pltpu
from jax.experimental.pallas import tpu_sc as plsc

_N = 10000
_E = 320000
_D = 128

_NC = 2
_NS = 16
_NW = _NC * _NS
_CHUNK = 128
_NCHUNK = 80
_EP = _NW * _NCHUNK * _CHUNK
_NPAD = _EP - _E
_KBUF = 2
_IGB = 40
_NP = 10240
_RPT = _NP // _NS

_mesh = plsc.VectorSubcoreMesh(core_axis_name="c", subcore_axis_name="s")


@functools.partial(
    pl.kernel,
    mesh=_mesh,
    out_type=jax.ShapeDtypeStruct((_NC, _NP, 16), jnp.float32),
    scratch_types=[
        pltpu.VMEM((_NCHUNK, _CHUNK), jnp.int32),
        pltpu.VMEM((_CHUNK, 16), jnp.float32),
        pltpu.VMEM_SHARED((_NP, 16), jnp.float32),
    ],
)
def _sc_degree(dstr_hbm, zeros16_hbm, out_hbm, dst_v, ones_v, acc_sh):
    c = lax.axis_index("c")
    s = lax.axis_index("s")
    wid = s * _NC + c

    pltpu.sync_copy(dstr_hbm.at[wid], dst_v)

    @pl.loop(0, _CHUNK)
    def _(i):
        ones_v[i, pl.ds(0, 16)] = jnp.ones((16,), jnp.float32)

    pltpu.sync_copy(
        zeros16_hbm.at[pl.ds(s * _RPT, _RPT)],
        acc_sh.at[pl.ds(s * _RPT, _RPT)],
    )
    plsc.subcore_barrier()

    @pl.loop(0, _NCHUNK)
    def _(j):
        pltpu.sync_copy(ones_v, acc_sh.at[dst_v.at[j]], add=True)

    plsc.subcore_barrier()
    pltpu.sync_copy(
        acc_sh.at[pl.ds(s * _RPT, _RPT)],
        out_hbm.at[c, pl.ds(s * _RPT, _RPT)],
    )


@functools.partial(
    pl.kernel,
    mesh=_mesh,
    out_type=jax.ShapeDtypeStruct((_NC, _NP, _D), jnp.float32),
    scratch_types=[
        pltpu.VMEM((_IGB, _CHUNK), jnp.int32),
        pltpu.VMEM((_IGB, _CHUNK), jnp.int32),
        pltpu.VMEM((_CHUNK, _D), jnp.float32),
        pltpu.VMEM((_CHUNK, _D), jnp.float32),
        pltpu.VMEM_SHARED((_NP, _D), jnp.float32),
        pltpu.SemaphoreType.DMA,
        pltpu.SemaphoreType.DMA,
    ],
)
def _sc_edges(g_hbm, srcr_hbm, dstr_hbm, zeros_hbm, out_hbm,
              src_v, dst_v, rows0_v, rows1_v, acc_sh, sem0, sem1):
    c = lax.axis_index("c")
    s = lax.axis_index("s")
    wid = s * _NC + c

    pltpu.sync_copy(
        zeros_hbm.at[pl.ds(s * _RPT, _RPT)],
        acc_sh.at[pl.ds(s * _RPT, _RPT)],
    )
    plsc.subcore_barrier()

    for og in range(_NCHUNK // _IGB):
        pltpu.sync_copy(srcr_hbm.at[wid, pl.ds(og * _IGB, _IGB)], src_v)
        pltpu.sync_copy(dstr_hbm.at[wid, pl.ds(og * _IGB, _IGB)], dst_v)

        @pl.loop(0, _IGB // 2)
        def _(gidx):
            j0 = gidx * 2
            h0 = pltpu.async_copy(g_hbm.at[src_v.at[j0]], rows0_v, sem0)
            h1 = pltpu.async_copy(g_hbm.at[src_v.at[j0 + 1]], rows1_v, sem1)
            h0.wait()
            h1.wait()
            pltpu.sync_copy(rows0_v, acc_sh.at[dst_v.at[j0]], add=True)
            pltpu.sync_copy(rows1_v, acc_sh.at[dst_v.at[j0 + 1]], add=True)

    plsc.subcore_barrier()
    pltpu.sync_copy(
        acc_sh.at[pl.ds(s * _RPT, _RPT)],
        out_hbm.at[c, pl.ds(s * _RPT, _RPT)],
    )


_RB = 2048


def _dinv_block(degp_blk):
    deg = degp_blk[0, :, 0:1] + degp_blk[1, :, 0:1] + 1.0
    return lax.rsqrt(deg)


def _mm_scale(x, W, degp):
    def body(x_ref, w_ref, degp_ref, o_ref):
        dinv = _dinv_block(degp_ref[...])
        h = jnp.dot(x_ref[...], w_ref[...], preferred_element_type=jnp.float32)
        o_ref[...] = h * dinv

    return pl.pallas_call(
        body,
        grid=(_NP // _RB,),
        in_specs=[
            pl.BlockSpec((_RB, _D), lambda i: (i, 0)),
            pl.BlockSpec((_D, _D), lambda i: (0, 0)),
            pl.BlockSpec((_NC, _RB, 16), lambda i: (0, i, 0)),
        ],
        out_specs=pl.BlockSpec((_RB, _D), lambda i: (i, 0)),
        out_shape=jax.ShapeDtypeStruct((_NP, _D), jnp.float32),
    )(x, W, degp)


def _combine(acc, g, degp, b, W, bias_out, scale_out):
    def body(acc_ref, g_ref, degp_ref, b_ref, w_ref, bo_ref, o_ref):
        dinv = _dinv_block(degp_ref[...])
        tot = (acc_ref[0] + acc_ref[1] + g_ref[...]) * dinv + b_ref[...]
        h = jnp.maximum(tot, 0.0)
        o = jnp.dot(h, w_ref[...], preferred_element_type=jnp.float32)
        if scale_out:
            o = o * dinv
        else:
            o = o + bo_ref[...]
        o_ref[...] = o

    bo = bias_out if bias_out is not None else jnp.zeros((_D,), jnp.float32)
    return pl.pallas_call(
        body,
        grid=(_NP // _RB,),
        in_specs=[
            pl.BlockSpec((_NC, _RB, _D), lambda i: (0, i, 0)),
            pl.BlockSpec((_RB, _D), lambda i: (i, 0)),
            pl.BlockSpec((_NC, _RB, 16), lambda i: (0, i, 0)),
            pl.BlockSpec((1, _D), lambda i: (0, 0)),
            pl.BlockSpec((_D, _D), lambda i: (0, 0)),
            pl.BlockSpec((1, _D), lambda i: (0, 0)),
        ],
        out_specs=pl.BlockSpec((_RB, _D), lambda i: (i, 0)),
        out_shape=jax.ShapeDtypeStruct((_NP, _D), jnp.float32),
    )(acc, g, degp, b.reshape(1, _D), W, bo.reshape(1, _D))


def kernel(x, edge_index, W1, b1, W2, b2, Wl, bl):
    padv = _N + (jnp.arange(_NPAD, dtype=jnp.int32) % (_NP - _N))
    pad = jnp.broadcast_to(padv, (2, _NPAD))
    ei = jnp.concatenate([edge_index, pad], axis=1)
    srcr = ei[0].reshape(_NW, _NCHUNK, _CHUNK)
    dstr = ei[1].reshape(_NW, _NCHUNK, _CHUNK)
    xp = jnp.zeros((_NP, _D), jnp.float32).at[:_N].set(x)
    zeros = jnp.zeros((_NP, _D), jnp.float32)
    zeros16 = jnp.zeros((_NP, 16), jnp.float32)

    degp = _sc_degree(dstr, zeros16)
    g1 = _mm_scale(xp, W1, degp)
    acc1 = _sc_edges(g1, srcr, dstr, zeros)
    g2 = _combine(acc1, g1, degp, b1, W2, None, scale_out=True)
    acc2 = _sc_edges(g2, srcr, dstr, zeros)
    out = _combine(acc2, g2, degp, b2, Wl, bl, scale_out=False)
    return out[:_N]

# --- scband reference (transcript-rebuilt; emitter-appended) ---
"""Pipeline reference for scband-gcn-90709709292172 (READ-ONLY COPY).

The authoritative reference and input builder live on the scoring server;
editing this copy changes nothing except your own understanding.
"""

import jax, jax.numpy as jnp
import numpy as np

N = 10000
E = 320000
D_IN = 128
D_HID = 128
D_OUT = 128


def gcn_conv(x, W, b, src, dst):
    # Linear transform
    h = x @ W
    # Add self-loops
    loop = jnp.arange(N, dtype=src.dtype)
    s = jnp.concatenate([src, loop])
    d = jnp.concatenate([dst, loop])
    # Symmetric normalization deg^-1/2 (dst-degree convention, matching PyG GCNConv)
    deg = jax.ops.segment_sum(jnp.ones_like(s, dtype=h.dtype), d, num_segments=N)
    dinv = jnp.where(deg > 0, 1.0 / jnp.sqrt(jnp.where(deg > 0, deg, 1.0)), 0.0)
    norm = dinv[s] * dinv[d]
    # Gather messages from source nodes, scale, scatter-add to destinations
    msgs = h[s] * norm[:, None]
    out = jax.ops.segment_sum(msgs, d, num_segments=N)
    return out + b


def setup_inputs(seed: int = 0) -> dict:
    key = jax.random.key(seed)
    ks = jax.random.split(key, 9)
    x = jax.random.normal(ks[0], (N, D_IN), dtype=jnp.float32)
    edge_index = jax.random.randint(ks[1], (2, E), 0, N, dtype=jnp.int32)
    s1 = 1.0 / np.sqrt(D_IN)
    s2 = 1.0 / np.sqrt(D_HID)
    W1 = jax.random.uniform(ks[2], (D_IN, D_HID), dtype=jnp.float32, minval=-s1, maxval=s1)
    b1 = jnp.zeros((D_HID,), dtype=jnp.float32)
    W2 = jax.random.uniform(ks[3], (D_HID, D_HID), dtype=jnp.float32, minval=-s2, maxval=s2)
    b2 = jnp.zeros((D_HID,), dtype=jnp.float32)
    Wl = jax.random.uniform(ks[4], (D_HID, D_OUT), dtype=jnp.float32, minval=-s2, maxval=s2)
    bl = jax.random.uniform(ks[5], (D_OUT,), dtype=jnp.float32, minval=-s2, maxval=s2)
    return {"x": x, "edge_index": edge_index, "W1": W1, "b1": b1, "W2": W2, "b2": b2, "Wl": Wl, "bl": bl}


def reference(x, edge_index, W1, b1, W2, b2, Wl, bl):
    src = edge_index[0]
    dst = edge_index[1]
    h = jax.nn.relu(gcn_conv(x, W1, b1, src, dst))
    h = jax.nn.relu(gcn_conv(h, W2, b2, src, dst))
    out = h @ Wl + bl
    return out

if __name__ == "__main__":
    import jax
    _d = setup_inputs()
    print(jax.jit(kernel)(*tuple(_d.values())))

</pallas_src>

<mosaic_0001>
#map = affine_map<(d0, d1) -> (0, 0)>
#map1 = affine_map<(d0, d1) -> (0, 0, 0)>
module attributes {stable_mosaic.version = 14 : i64} {
  func.func @_sc_edges(%arg0: i32, %arg1: i32, %arg2: memref<10240x128xf32, #tpu.memory_space<hbm>>, %arg3: memref<32x80x128xi32, #tpu.memory_space<hbm>>, %arg4: memref<32x80x128xi32, #tpu.memory_space<hbm>>, %arg5: memref<10240x128xf32, #tpu.memory_space<hbm>>, %arg6: memref<2x10240x128xf32, #tpu.memory_space<hbm>>, %arg7: memref<40x128xi32, #tpu.memory_space<vmem>>, %arg8: memref<40x128xi32, #tpu.memory_space<vmem>>, %arg9: memref<128x128xf32, #tpu.memory_space<vmem>>, %arg10: memref<128x128xf32, #tpu.memory_space<vmem>>, %arg11: memref<10240x128xf32, #tpu.memory_space<vmem_shared>>, %arg12: memref<!tpu.dma_semaphore, #tpu.memory_space<semaphore_mem>>, %arg13: memref<!tpu.dma_semaphore, #tpu.memory_space<semaphore_mem>>) attributes {dimension_semantics = [#tpu.dimension_semantics<core_parallel>, #tpu.dimension_semantics<subcore_parallel>], iteration_bounds = array<i64: 2, 16>, scalar_prefetch = 0 : i64, scratch_operands = 7 : i64, tpu.core_type = #tpu.core_type<sc_vector_subcore>, window_params = [{transform_indices = #map}, {transform_indices = #map1}, {transform_indices = #map1}, {transform_indices = #map}, {transform_indices = #map1}]} {
    %mul3A = arith.constant 2 : i32
    %mul3A_0 = arith.muli %arg1, %mul3A : i32
    %add3A = arith.addi %mul3A_0, %arg0 : i32
    %mul3A_1 = arith.constant 640 : i32
    %mul3A_2 = arith.muli %arg1, %mul3A_1 : i32
    %mul3A_3 = arith.constant 640 : i32
    %mul3A_4 = arith.muli %arg1, %mul3A_3 : i32
    "tpu.region"() ({
      %run_scoped3A = tpu.sem_alloc : memref<!tpu.dma_semaphore, #tpu.memory_space<semaphore_mem>>
      %dma_start3A = arith.constant 0 : i32
      %dma_start3A_19 = tpu.memref_slice %arg11[%mul3A_4, %dma_start3A] : memref<10240x128xf32, #tpu.memory_space<vmem_shared>> -> memref<640x128xf32, #tpu.memory_space<vmem_shared>>
      %dma_start3A_20 = arith.constant 0 : i32
      %dma_start3A_21 = tpu.memref_slice %arg5[%mul3A_2, %dma_start3A_20] : memref<10240x128xf32, #tpu.memory_space<hbm>> -> memref<640x128xf32, #tpu.memory_space<hbm>>
      tpu.enqueue_dma source(%dma_start3A_21 : memref<640x128xf32, #tpu.memory_space<hbm>>) target(%dma_start3A_19 : memref<640x128xf32, #tpu.memory_space<vmem_shared>>) target_semaphore(%run_scoped3A : memref<!tpu.dma_semaphore, #tpu.memory_space<semaphore_mem>>)
      %dma_wait3A = arith.constant 0 : i32
      %dma_wait3A_22 = tpu.memref_slice %arg11[%mul3A_4, %dma_wait3A] : memref<10240x128xf32, #tpu.memory_space<vmem_shared>> -> memref<640x128xf32, #tpu.memory_space<vmem_shared>>
      %dma_wait3A_23 = arith.constant 0 : i32
      %dma_wait3A_24 = tpu.memref_slice %arg5[%mul3A_2, %dma_wait3A_23] : memref<10240x128xf32, #tpu.memory_space<hbm>> -> memref<640x128xf32, #tpu.memory_space<hbm>>
      tpu.wait_dma2 semaphore(%run_scoped3A : memref<!tpu.dma_semaphore, #tpu.memory_space<semaphore_mem>>) src(%dma_wait3A_24 : memref<640x128xf32, #tpu.memory_space<hbm>>) dst(%dma_wait3A_22 : memref<640x128xf32, #tpu.memory_space<vmem_shared>>)
      tpu.yield
    }) : () -> ()
    %barrier3A = arith.constant 0 : index
    tpu.barrier barrier_id(%barrier3A)
    "tpu.region"() ({
      %run_scoped3A = tpu.sem_alloc : memref<!tpu.dma_semaphore, #tpu.memory_space<semaphore_mem>>
      %dma_start3A = arith.constant 0 : i32
      %dma_start3A_19 = arith.constant 0 : i32
      %dma_start3A_20 = tpu.memref_slice %arg3[%add3A, %dma_start3A, %dma_start3A_19] : memref<32x80x128xi32, #tpu.memory_space<hbm>> -> memref<1x40x128xi32, #tpu.memory_space<hbm>>
      %dma_start3A_21 = tpu.memref_squeeze %dma_start3A_20 : memref<1x40x128xi32, #tpu.memory_space<hbm>> -> memref<40x128xi32, #tpu.memory_space<hbm>>
      %dma_start3A_22 = arith.constant 0 : i32
      %dma_start3A_23 = arith.constant 0 : i32
      %dma_start3A_24 = tpu.memref_slice %arg3[%add3A, %dma_start3A_22, %dma_start3A_23] : memref<32x80x128xi32, #tpu.memory_space<hbm>> -> memref<1x40x128xi32, #tpu.memory_space<hbm>>
      %dma_start3A_25 = tpu.memref_squeeze %dma_start3A_24 : memref<1x40x128xi32, #tpu.memory_space<hbm>> -> memref<40x128xi32, #tpu.memory_space<hbm>>
      tpu.enqueue_dma source(%dma_start3A_25 : memref<40x128xi32, #tpu.memory_space<hbm>>) target(%arg7 : memref<40x128xi32, #tpu.memory_space<vmem>>) target_semaphore(%run_scoped3A : memref<!tpu.dma_semaphore, #tpu.memory_space<semaphore_mem>>)
      %dma_wait3A = arith.constant 0 : i32
      %dma_wait3A_26 = arith.constant 0 : i32
      %dma_wait3A_27 = tpu.memref_slice %arg3[%add3A, %dma_wait3A, %dma_wait3A_26] : memref<32x80x128xi32, #tpu.memory_space<hbm>> -> memref<1x40x128xi32, #tpu.memory_space<hbm>>
      %dma_wait3A_28 = tpu.memref_squeeze %dma_wait3A_27 : memref<1x40x128xi32, #tpu.memory_space<hbm>> -> memref<40x128xi32, #tpu.memory_space<hbm>>
      %dma_wait3A_29 = arith.constant 0 : i32
      %dma_wait3A_30 = arith.constant 0 : i32
      %dma_wait3A_31 = tpu.memref_slice %arg3[%add3A, %dma_wait3A_29, %dma_wait3A_30] : memref<32x80x128xi32, #tpu.memory_space<hbm>> -> memref<1x40x128xi32, #tpu.memory_space<hbm>>
      %dma_wait3A_32 = tpu.memref_squeeze %dma_wait3A_31 : memref<1x40x128xi32, #tpu.memory_space<hbm>> -> memref<40x128xi32, #tpu.memory_space<hbm>>
      tpu.wait_dma2 semaphore(%run_scoped3A : memref<!tpu.dma_semaphore, #tpu.memory_space<semaphore_mem>>) src(%dma_wait3A_32 : memref<40x128xi32, #tpu.memory_space<hbm>>) dst(%arg7 : memref<40x128xi32, #tpu.memory_space<vmem>>)
      tpu.yield
    }) : () -> ()
    "tpu.region"() ({
      %run_scoped3A = tpu.sem_alloc : memref<!tpu.dma_semaphore, #tpu.memory_space<semaphore_mem>>
      %dma_start3A = arith.constant 0 : i32
      %dma_start3A_19 = arith.constant 0 : i32
      %dma_start3A_20 = tpu.memref_slice %arg4[%add3A, %dma_start3A, %dma_start3A_19] : memref<32x80x128xi32, #tpu.memory_space<hbm>> -> memref<1x40x128xi32, #tpu.memory_space<hbm>>
      %dma_start3A_21 = tpu.memref_squeeze %dma_start3A_20 : memref<1x40x128xi32, #tpu.memory_space<hbm>> -> memref<40x128xi32, #tpu.memory_space<hbm>>
      %dma_start3A_22 = arith.constant 0 : i32
      %dma_start3A_23 = arith.constant 0 : i32
      %dma_start3A_24 = tpu.memref_slice %arg4[%add3A, %dma_start3A_22, %dma_start3A_23] : memref<32x80x128xi32, #tpu.memory_space<hbm>> -> memref<1x40x128xi32, #tpu.memory_space<hbm>>
      %dma_start3A_25 = tpu.memref_squeeze %dma_start3A_24 : memref<1x40x128xi32, #tpu.memory_space<hbm>> -> memref<40x128xi32, #tpu.memory_space<hbm>>
      tpu.enqueue_dma source(%dma_start3A_25 : memref<40x128xi32, #tpu.memory_space<hbm>>) target(%arg8 : memref<40x128xi32, #tpu.memory_space<vmem>>) target_semaphore(%run_scoped3A : memref<!tpu.dma_semaphore, #tpu.memory_space<semaphore_mem>>)
      %dma_wait3A = arith.constant 0 : i32
      %dma_wait3A_26 = arith.constant 0 : i32
      %dma_wait3A_27 = tpu.memref_slice %arg4[%add3A, %dma_wait3A, %dma_wait3A_26] : memref<32x80x128xi32, #tpu.memory_space<hbm>> -> memref<1x40x128xi32, #tpu.memory_space<hbm>>
      %dma_wait3A_28 = tpu.memref_squeeze %dma_wait3A_27 : memref<1x40x128xi32, #tpu.memory_space<hbm>> -> memref<40x128xi32, #tpu.memory_space<hbm>>
      %dma_wait3A_29 = arith.constant 0 : i32
      %dma_wait3A_30 = arith.constant 0 : i32
      %dma_wait3A_31 = tpu.memref_slice %arg4[%add3A, %dma_wait3A_29, %dma_wait3A_30] : memref<32x80x128xi32, #tpu.memory_space<hbm>> -> memref<1x40x128xi32, #tpu.memory_space<hbm>>
      %dma_wait3A_32 = tpu.memref_squeeze %dma_wait3A_31 : memref<1x40x128xi32, #tpu.memory_space<hbm>> -> memref<40x128xi32, #tpu.memory_space<hbm>>
      tpu.wait_dma2 semaphore(%run_scoped3A : memref<!tpu.dma_semaphore, #tpu.memory_space<semaphore_mem>>) src(%dma_wait3A_32 : memref<40x128xi32, #tpu.memory_space<hbm>>) dst(%arg8 : memref<40x128xi32, #tpu.memory_space<vmem>>)
      tpu.yield
    }) : () -> ()
    %scan3A = arith.constant 0 : i32
    %scan3A_5 = arith.constant 20 : i32
    %scan3A_6 = arith.addi %scan3A, %scan3A_5 : i32
    %scan3A_7 = arith.constant 1 : i32
    scf.for %scan3A_19 = %scan3A to %scan3A_6 step %scan3A_7  : i32 {
      %mul3A_20 = arith.constant 1 : i32
      %mul3A_21 = arith.muli %scan3A_19, %mul3A_20 : i32
      %add3A_22 = arith.constant 0 : i32
      %add3A_23 = arith.addi %add3A_22, %mul3A_21 : i32
      %mul3A_24 = arith.constant 2 : i32
      %mul3A_25 = arith.muli %add3A_23, %mul3A_24 : i32
      %dma_start3A = arith.constant 0 : i32
      %dma_start3A_26 = tpu.memref_slice %arg7[%mul3A_25, %dma_start3A] : memref<40x128xi32, #tpu.memory_space<vmem>> -> memref<1x128xi32, #tpu.memory_space<vmem>>
      %dma_start3A_27 = tpu.memref_squeeze %dma_start3A_26 : memref<1x128xi32, #tpu.memory_space<vmem>> -> memref<128xi32, #tpu.memory_space<vmem>>
      %dma_start3A_28 = arith.constant 0 : i32
      %dma_start3A_29 = arith.constant 0 : i32
      %dma_start3A_30 = tpu.memref_slice %arg2[%dma_start3A_28, %dma_start3A_29] : memref<10240x128xf32, #tpu.memory_space<hbm>> -> memref<10240x128xf32, #tpu.memory_space<hbm>>
      tpu.enqueue_indirect_dma source(%dma_start3A_30 : memref<10240x128xf32, #tpu.memory_space<hbm>>) target(%arg9 : memref<128x128xf32, #tpu.memory_space<vmem>>) offsets(%dma_start3A_27 : memref<128xi32, #tpu.memory_space<vmem>>) semaphore(%arg12 : memref<!tpu.dma_semaphore, #tpu.memory_space<semaphore_mem>>)
      %add3A_31 = arith.constant 1 : i32
      %add3A_32 = arith.addi %mul3A_25, %add3A_31 : i32
      %dma_start3A_33 = arith.constant 0 : i32
      %dma_start3A_34 = tpu.memref_slice %arg7[%add3A_32, %dma_start3A_33] : memref<40x128xi32, #tpu.memory_space<vmem>> -> memref<1x128xi32, #tpu.memory_space<vmem>>
      %dma_start3A_35 = tpu.memref_squeeze %dma_start3A_34 : memref<1x128xi32, #tpu.memory_space<vmem>> -> memref<128xi32, #tpu.memory_space<vmem>>
      %dma_start3A_36 = arith.constant 0 : i32
      %dma_start3A_37 = arith.constant 0 : i32
      %dma_start3A_38 = tpu.memref_slice %arg2[%dma_start3A_36, %dma_start3A_37] : memref<10240x128xf32, #tpu.memory_space<hbm>> -> memref<10240x128xf32, #tpu.memory_space<hbm>>
      tpu.enqueue_indirect_dma source(%dma_start3A_38 : memref<10240x128xf32, #tpu.memory_space<hbm>>) target(%arg10 : memref<128x128xf32, #tpu.memory_space<vmem>>) offsets(%dma_start3A_35 : memref<128xi32, #tpu.memory_space<vmem>>) semaphore(%arg13 : memref<!tpu.dma_semaphore, #tpu.memory_space<semaphore_mem>>)
      %dma_wait3A = arith.constant 0 : i32
      %dma_wait3A_39 = tpu.memref_slice %arg7[%mul3A_25, %dma_wait3A] : memref<40x128xi32, #tpu.memory_space<vmem>> -> memref<1x128xi32, #tpu.memory_space<vmem>>
      %dma_wait3A_40 = tpu.memref_squeeze %dma_wait3A_39 : memref<1x128xi32, #tpu.memory_space<vmem>> -> memref<128xi32, #tpu.memory_space<vmem>>
      %dma_wait3A_41 = arith.constant 0 : i32
      %dma_wait3A_42 = arith.constant 0 : i32
      %dma_wait3A_43 = tpu.memref_slice %arg2[%dma_wait3A_41, %dma_wait3A_42] : memref<10240x128xf32, #tpu.memory_space<hbm>> -> memref<10240x128xf32, #tpu.memory_space<hbm>>
      tpu.wait_indirect_dma semaphore(%arg12 : memref<!tpu.dma_semaphore, #tpu.memory_space<semaphore_mem>>) src(%dma_wait3A_43 : memref<10240x128xf32, #tpu.memory_space<hbm>>) dst(%arg9 : memref<128x128xf32, #tpu.memory_space<vmem>>)
      %dma_wait3A_44 = arith.constant 0 : i32
      %dma_wait3A_45 = tpu.memref_slice %arg7[%add3A_32, %dma_wait3A_44] : memref<40x128xi32, #tpu.memory_space<vmem>> -> memref<1x128xi32, #tpu.memory_space<vmem>>
      %dma_wait3A_46 = tpu.memref_squeeze %dma_wait3A_45 : memref<1x128xi32, #tpu.memory_space<vmem>> -> memref<128xi32, #tpu.memory_space<vmem>>
      %dma_wait3A_47 = arith.constant 0 : i32
      %dma_wait3A_48 = arith.constant 0 : i32
      %dma_wait3A_49 = tpu.memref_slice %arg2[%dma_wait3A_47, %dma_wait3A_48] : memref<10240x128xf32, #tpu.memory_space<hbm>> -> memref<10240x128xf32, #tpu.memory_space<hbm>>
      tpu.wait_indirect_dma semaphore(%arg13 : memref<!tpu.dma_semaphore, #tpu.memory_space<semaphore_mem>>) src(%dma_wait3A_49 : memref<10240x128xf32, #tpu.memory_space<hbm>>) dst(%arg10 : memref<128x128xf32, #tpu.memory_space<vmem>>)
      "tpu.region"() ({
        %run_scoped3A = tpu.sem_alloc : memref<!tpu.dma_semaphore, #tpu.memory_space<semaphore_mem>>
        %dma_start3A_52 = arith.constant 0 : i32
        %dma_start3A_53 = tpu.memref_slice %arg8[%mul3A_25, %dma_start3A_52] : memref<40x128xi32, #tpu.memory_space<vmem>> -> memref<1x128xi32, #tpu.memory_space<vmem>>
        %dma_start3A_54 = tpu.memref_squeeze %dma_start3A_53 : memref<1x128xi32, #tpu.memory_space<vmem>> -> memref<128xi32, #tpu.memory_space<vmem>>
        %dma_start3A_55 = arith.constant 0 : i32
        %dma_start3A_56 = arith.constant 0 : i32
        %dma_start3A_57 = tpu.memref_slice %arg11[%dma_start3A_55, %dma_start3A_56] : memref<10240x128xf32, #tpu.memory_space<vmem_shared>> -> memref<10240x128xf32, #tpu.memory_space<vmem_shared>>
        tpu.enqueue_indirect_dma source(%arg9 : memref<128x128xf32, #tpu.memory_space<vmem>>) target(%dma_start3A_57 : memref<10240x128xf32, #tpu.memory_space<vmem_shared>>) offsets(%dma_start3A_54 : memref<128xi32, #tpu.memory_space<vmem>>) semaphore(%run_scoped3A : memref<!tpu.dma_semaphore, #tpu.memory_space<semaphore_mem>>) {add = true}
        %dma_wait3A_58 = arith.constant 0 : i32
        %dma_wait3A_59 = tpu.memref_slice %arg8[%mul3A_25, %dma_wait3A_58] : memref<40x128xi32, #tpu.memory_space<vmem>> -> memref<1x128xi32, #tpu.memory_space<vmem>>
        %dma_wait3A_60 = tpu.memref_squeeze %dma_wait3A_59 : memref<1x128xi32, #tpu.memory_space<vmem>> -> memref<128xi32, #tpu.memory_space<vmem>>
        %dma_wait3A_61 = arith.constant 0 : i32
        %dma_wait3A_62 = arith.constant 0 : i32
        %dma_wait3A_63 = tpu.memref_slice %arg11[%dma_wait3A_61, %dma_wait3A_62] : memref<10240x128xf32, #tpu.memory_space<vmem_shared>> -> memref<10240x128xf32, #tpu.memory_space<vmem_shared>>
        tpu.wait_indirect_dma semaphore(%run_scoped3A : memref<!tpu.dma_semaphore, #tpu.memory_space<semaphore_mem>>) src(%arg9 : memref<128x128xf32, #tpu.memory_space<vmem>>) dst(%dma_wait3A_63 : memref<10240x128xf32, #tpu.memory_space<vmem_shared>>)
        tpu.yield
      }) : () -> ()
      %add3A_50 = arith.constant 1 : i32
      %add3A_51 = arith.addi %mul3A_25, %add3A_50 : i32
      "tpu.region"() ({
        %run_scoped3A = tpu.sem_alloc : memref<!tpu.dma_semaphore, #tpu.memory_space<semaphore_mem>>
        %dma_start3A_52 = arith.constant 0 : i32
        %dma_start3A_53 = tpu.memref_slice %arg8[%add3A_51, %dma_start3A_52] : memref<40x128xi32, #tpu.memory_space<vmem>> -> memref<1x128xi32, #tpu.memory_space<vmem>>
        %dma_start3A_54 = tpu.memref_squeeze %dma_start3A_53 : memref<1x128xi32, #tpu.memory_space<vmem>> -> memref<128xi32, #tpu.memory_space<vmem>>
        %dma_start3A_55 = arith.constant 0 : i32
        %dma_start3A_56 = arith.constant 0 : i32
        %dma_start3A_57 = tpu.memref_slice %arg11[%dma_start3A_55, %dma_start3A_56] : memref<10240x128xf32, #tpu.memory_space<vmem_shared>> -> memref<10240x128xf32, #tpu.memory_space<vmem_shared>>
        tpu.enqueue_indirect_dma source(%arg10 : memref<128x128xf32, #tpu.memory_space<vmem>>) target(%dma_start3A_57 : memref<10240x128xf32, #tpu.memory_space<vmem_shared>>) offsets(%dma_start3A_54 : memref<128xi32, #tpu.memory_space<vmem>>) semaphore(%run_scoped3A : memref<!tpu.dma_semaphore, #tpu.memory_space<semaphore_mem>>) {add = true}
        %dma_wait3A_58 = arith.constant 0 : i32
        %dma_wait3A_59 = tpu.memref_slice %arg8[%add3A_51, %dma_wait3A_58] : memref<40x128xi32, #tpu.memory_space<vmem>> -> memref<1x128xi32, #tpu.memory_space<vmem>>
        %dma_wait3A_60 = tpu.memref_squeeze %dma_wait3A_59 : memref<1x128xi32, #tpu.memory_space<vmem>> -> memref<128xi32, #tpu.memory_space<vmem>>
        %dma_wait3A_61 = arith.constant 0 : i32
        %dma_wait3A_62 = arith.constant 0 : i32
        %dma_wait3A_63 = tpu.memref_slice %arg11[%dma_wait3A_61, %dma_wait3A_62] : memref<10240x128xf32, #tpu.memory_space<vmem_shared>> -> memref<10240x128xf32, #tpu.memory_space<vmem_shared>>
        tpu.wait_indirect_dma semaphore(%run_scoped3A : memref<!tpu.dma_semaphore, #tpu.memory_space<semaphore_mem>>) src(%arg10 : memref<128x128xf32, #tpu.memory_space<vmem>>) dst(%dma_wait3A_63 : memref<10240x128xf32, #tpu.memory_space<vmem_shared>>)
        tpu.yield
      }) : () -> ()
    }
    %scan3A_8 = arith.constant 20 : i32
    "tpu.region"() ({
      %run_scoped3A = tpu.sem_alloc : memref<!tpu.dma_semaphore, #tpu.memory_space<semaphore_mem>>
      %dma_start3A = arith.constant 40 : i32
      %dma_start3A_19 = arith.constant 0 : i32
      %dma_start3A_20 = tpu.memref_slice %arg3[%add3A, %dma_start3A, %dma_start3A_19] : memref<32x80x128xi32, #tpu.memory_space<hbm>> -> memref<1x40x128xi32, #tpu.memory_space<hbm>>
      %dma_start3A_21 = tpu.memref_squeeze %dma_start3A_20 : memref<1x40x128xi32, #tpu.memory_space<hbm>> -> memref<40x128xi32, #tpu.memory_space<hbm>>
      %dma_start3A_22 = arith.constant 40 : i32
      %dma_start3A_23 = arith.constant 0 : i32
      %dma_start3A_24 = tpu.memref_slice %arg3[%add3A, %dma_start3A_22, %dma_start3A_23] : memref<32x80x128xi32, #tpu.memory_space<hbm>> -> memref<1x40x128xi32, #tpu.memory_space<hbm>>
      %dma_start3A_25 = tpu.memref_squeeze %dma_start3A_24 : memref<1x40x128xi32, #tpu.memory_space<hbm>> -> memref<40x128xi32, #tpu.memory_space<hbm>>
      tpu.enqueue_dma source(%dma_start3A_25 : memref<40x128xi32, #tpu.memory_space<hbm>>) target(%arg7 : memref<40x128xi32, #tpu.memory_space<vmem>>) target_semaphore(%run_scoped3A : memref<!tpu.dma_semaphore, #tpu.memory_space<semaphore_mem>>)
      %dma_wait3A = arith.constant 40 : i32
      %dma_wait3A_26 = arith.constant 0 : i32
      %dma_wait3A_27 = tpu.memref_slice %arg3[%add3A, %dma_wait3A, %dma_wait3A_26] : memref<32x80x128xi32, #tpu.memory_space<hbm>> -> memref<1x40x128xi32, #tpu.memory_space<hbm>>
      %dma_wait3A_28 = tpu.memref_squeeze %dma_wait3A_27 : memref<1x40x128xi32, #tpu.memory_space<hbm>> -> memref<40x128xi32, #tpu.memory_space<hbm>>
      %dma_wait3A_29 = arith.constant 40 : i32
      %dma_wait3A_30 = arith.constant 0 : i32
      %dma_wait3A_31 = tpu.memref_slice %arg3[%add3A, %dma_wait3A_29, %dma_wait3A_30] : memref<32x80x128xi32, #tpu.memory_space<hbm>> -> memref<1x40x128xi32, #tpu.memory_space<hbm>>
      %dma_wait3A_32 = tpu.memref_squeeze %dma_wait3A_31 : memref<1x40x128xi32, #tpu.memory_space<hbm>> -> memref<40x128xi32, #tpu.memory_space<hbm>>
      tpu.wait_dma2 semaphore(%run_scoped3A : memref<!tpu.dma_semaphore, #tpu.memory_space<semaphore_mem>>) src(%dma_wait3A_32 : memref<40x128xi32, #tpu.memory_space<hbm>>) dst(%arg7 : memref<40x128xi32, #tpu.memory_space<vmem>>)
      tpu.yield
    }) : () -> ()
    "tpu.region"() ({
      %run_scoped3A = tpu.sem_alloc : memref<!tpu.dma_semaphore, #tpu.memory_space<semaphore_mem>>
      %dma_start3A = arith.constant 40 : i32
      %dma_start3A_19 = arith.constant 0 : i32
      %dma_start3A_20 = tpu.memref_slice %arg4[%add3A, %dma_start3A, %dma_start3A_19] : memref<32x80x128xi32, #tpu.memory_space<hbm>> -> memref<1x40x128xi32, #tpu.memory_space<hbm>>
      %dma_start3A_21 = tpu.memref_squeeze %dma_start3A_20 : memref<1x40x128xi32, #tpu.memory_space<hbm>> -> memref<40x128xi32, #tpu.memory_space<hbm>>
      %dma_start3A_22 = arith.constant 40 : i32
      %dma_start3A_23 = arith.constant 0 : i32
      %dma_start3A_24 = tpu.memref_slice %arg4[%add3A, %dma_start3A_22, %dma_start3A_23] : memref<32x80x128xi32, #tpu.memory_space<hbm>> -> memref<1x40x128xi32, #tpu.memory_space<hbm>>
      %dma_start3A_25 = tpu.memref_squeeze %dma_start3A_24 : memref<1x40x128xi32, #tpu.memory_space<hbm>> -> memref<40x128xi32, #tpu.memory_space<hbm>>
      tpu.enqueue_dma source(%dma_start3A_25 : memref<40x128xi32, #tpu.memory_space<hbm>>) target(%arg8 : memref<40x128xi32, #tpu.memory_space<vmem>>) target_semaphore(%run_scoped3A : memref<!tpu.dma_semaphore, #tpu.memory_space<semaphore_mem>>)
      %dma_wait3A = arith.constant 40 : i32
      %dma_wait3A_26 = arith.constant 0 : i32
      %dma_wait3A_27 = tpu.memref_slice %arg4[%add3A, %dma_wait3A, %dma_wait3A_26] : memref<32x80x128xi32, #tpu.memory_space<hbm>> -> memref<1x40x128xi32, #tpu.memory_space<hbm>>
      %dma_wait3A_28 = tpu.memref_squeeze %dma_wait3A_27 : memref<1x40x128xi32, #tpu.memory_space<hbm>> -> memref<40x128xi32, #tpu.memory_space<hbm>>
      %dma_wait3A_29 = arith.constant 40 : i32
      %dma_wait3A_30 = arith.constant 0 : i32
      %dma_wait3A_31 = tpu.memref_slice %arg4[%add3A, %dma_wait3A_29, %dma_wait3A_30] : memref<32x80x128xi32, #tpu.memory_space<hbm>> -> memref<1x40x128xi32, #tpu.memory_space<hbm>>
      %dma_wait3A_32 = tpu.memref_squeeze %dma_wait3A_31 : memref<1x40x128xi32, #tpu.memory_space<hbm>> -> memref<40x128xi32, #tpu.memory_space<hbm>>
      tpu.wait_dma2 semaphore(%run_scoped3A : memref<!tpu.dma_semaphore, #tpu.memory_space<semaphore_mem>>) src(%dma_wait3A_32 : memref<40x128xi32, #tpu.memory_space<hbm>>) dst(%arg8 : memref<40x128xi32, #tpu.memory_space<vmem>>)
      tpu.yield
    }) : () -> ()
    %scan3A_9 = arith.constant 0 : i32
    %scan3A_10 = arith.constant 20 : i32
    %scan3A_11 = arith.addi %scan3A_9, %scan3A_10 : i32
    %scan3A_12 = arith.constant 1 : i32
    scf.for %scan3A_19 = %scan3A_9 to %scan3A_11 step %scan3A_12  : i32 {
      %mul3A_20 = arith.constant 1 : i32
      %mul3A_21 = arith.muli %scan3A_19, %mul3A_20 : i32
      %add3A_22 = arith.constant 0 : i32
      %add3A_23 = arith.addi %add3A_22, %mul3A_21 : i32
      %mul3A_24 = arith.constant 2 : i32
      %mul3A_25 = arith.muli %add3A_23, %mul3A_24 : i32
      %dma_start3A = arith.constant 0 : i32
      %dma_start3A_26 = tpu.memref_slice %arg7[%mul3A_25, %dma_start3A] : memref<40x128xi32, #tpu.memory_space<vmem>> -> memref<1x128xi32, #tpu.memory_space<vmem>>
      %dma_start3A_27 = tpu.memref_squeeze %dma_start3A_26 : memref<1x128xi32, #tpu.memory_space<vmem>> -> memref<128xi32, #tpu.memory_space<vmem>>
      %dma_start3A_28 = arith.constant 0 : i32
      %dma_start3A_29 = arith.constant 0 : i32
      %dma_start3A_30 = tpu.memref_slice %arg2[%dma_start3A_28, %dma_start3A_29] : memref<10240x128xf32, #tpu.memory_space<hbm>> -> memref<10240x128xf32, #tpu.memory_space<hbm>>
      tpu.enqueue_indirect_dma source(%dma_start3A_30 : memref<10240x128xf32, #tpu.memory_space<hbm>>) target(%arg9 : memref<128x128xf32, #tpu.memory_space<vmem>>) offsets(%dma_start3A_27 : memref<128xi32, #tpu.memory_space<vmem>>) semaphore(%arg12 : memref<!tpu.dma_semaphore, #tpu.memory_space<semaphore_mem>>)
      %add3A_31 = arith.constant 1 : i32
      %add3A_32 = arith.addi %mul3A_25, %add3A_31 : i32
      %dma_start3A_33 = arith.constant 0 : i32
      %dma_start3A_34 = tpu.memref_slice %arg7[%add3A_32, %dma_start3A_33] : memref<40x128xi32, #tpu.memory_space<vmem>> -> memref<1x128xi32, #tpu.memory_space<vmem>>
      %dma_start3A_35 = tpu.memref_squeeze %dma_start3A_34 : memref<1x128xi32, #tpu.memory_space<vmem>> -> memref<128xi32, #tpu.memory_space<vmem>>
      %dma_start3A_36 = arith.constant 0 : i32
      %dma_start3A_37 = arith.constant 0 : i32
      %dma_start3A_38 = tpu.memref_slice %arg2[%dma_start3A_36, %dma_start3A_37] : memref<10240x128xf32, #tpu.memory_space<hbm>> -> memref<10240x128xf32, #tpu.memory_space<hbm>>
      tpu.enqueue_indirect_dma source(%dma_start3A_38 : memref<10240x128xf32, #tpu.memory_space<hbm>>) target(%arg10 : memref<128x128xf32, #tpu.memory_space<vmem>>) offsets(%dma_start3A_35 : memref<128xi32, #tpu.memory_space<vmem>>) semaphore(%arg13 : memref<!tpu.dma_semaphore, #tpu.memory_space<semaphore_mem>>)
      %dma_wait3A = arith.constant 0 : i32
      %dma_wait3A_39 = tpu.memref_slice %arg7[%mul3A_25, %dma_wait3A] : memref<40x128xi32, #tpu.memory_space<vmem>> -> memref<1x128xi32, #tpu.memory_space<vmem>>
      %dma_wait3A_40 = tpu.memref_squeeze %dma_wait3A_39 : memref<1x128xi32, #tpu.memory_space<vmem>> -> memref<128xi32, #tpu.memory_space<vmem>>
      %dma_wait3A_41 = arith.constant 0 : i32
      %dma_wait3A_42 = arith.constant 0 : i32
      %dma_wait3A_43 = tpu.memref_slice %arg2[%dma_wait3A_41, %dma_wait3A_42] : memref<10240x128xf32, #tpu.memory_space<hbm>> -> memref<10240x128xf32, #tpu.memory_space<hbm>>
      tpu.wait_indirect_dma semaphore(%arg12 : memref<!tpu.dma_semaphore, #tpu.memory_space<semaphore_mem>>) src(%dma_wait3A_43 : memref<10240x128xf32, #tpu.memory_space<hbm>>) dst(%arg9 : memref<128x128xf32, #tpu.memory_space<vmem>>)
      %dma_wait3A_44 = arith.constant 0 : i32
      %dma_wait3A_45 = tpu.memref_slice %arg7[%add3A_32, %dma_wait3A_44] : memref<40x128xi32, #tpu.memory_space<vmem>> -> memref<1x128xi32, #tpu.memory_space<vmem>>
      %dma_wait3A_46 = tpu.memref_squeeze %dma_wait3A_45 : memref<1x128xi32, #tpu.memory_space<vmem>> -> memref<128xi32, #tpu.memory_space<vmem>>
      %dma_wait3A_47 = arith.constant 0 : i32
      %dma_wait3A_48 = arith.constant 0 : i32
      %dma_wait3A_49 = tpu.memref_slice %arg2[%dma_wait3A_47, %dma_wait3A_48] : memref<10240x128xf32, #tpu.memory_space<hbm>> -> memref<10240x128xf32, #tpu.memory_space<hbm>>
      tpu.wait_indirect_dma semaphore(%arg13 : memref<!tpu.dma_semaphore, #tpu.memory_space<semaphore_mem>>) src(%dma_wait3A_49 : memref<10240x128xf32, #tpu.memory_space<hbm>>) dst(%arg10 : memref<128x128xf32, #tpu.memory_space<vmem>>)
      "tpu.region"() ({
        %run_scoped3A = tpu.sem_alloc : memref<!tpu.dma_semaphore, #tpu.memory_space<semaphore_mem>>
        %dma_start3A_52 = arith.constant 0 : i32
        %dma_start3A_53 = tpu.memref_slice %arg8[%mul3A_25, %dma_start3A_52] : memref<40x128xi32, #tpu.memory_space<vmem>> -> memref<1x128xi32, #tpu.memory_space<vmem>>
        %dma_start3A_54 = tpu.memref_squeeze %dma_start3A_53 : memref<1x128xi32, #tpu.memory_space<vmem>> -> memref<128xi32, #tpu.memory_space<vmem>>
        %dma_start3A_55 = arith.constant 0 : i32
        %dma_start3A_56 = arith.constant 0 : i32
        %dma_start3A_57 = tpu.memref_slice %arg11[%dma_start3A_55, %dma_start3A_56] : memref<10240x128xf32, #tpu.memory_space<vmem_shared>> -> memref<10240x128xf32, #tpu.memory_space<vmem_shared>>
        tpu.enqueue_indirect_dma source(%arg9 : memref<128x128xf32, #tpu.memory_space<vmem>>) target(%dma_start3A_57 : memref<10240x128xf32, #tpu.memory_space<vmem_shared>>) offsets(%dma_start3A_54 : memref<128xi32, #tpu.memory_space<vmem>>) semaphore(%run_scoped3A : memref<!tpu.dma_semaphore, #tpu.memory_space<semaphore_mem>>) {add = true}
        %dma_wait3A_58 = arith.constant 0 : i32
        %dma_wait3A_59 = tpu.memref_slice %arg8[%mul3A_25, %dma_wait3A_58] : memref<40x128xi32, #tpu.memory_space<vmem>> -> memref<1x128xi32, #tpu.memory_space<vmem>>
        %dma_wait3A_60 = tpu.memref_squeeze %dma_wait3A_59 : memref<1x128xi32, #tpu.memory_space<vmem>> -> memref<128xi32, #tpu.memory_space<vmem>>
        %dma_wait3A_61 = arith.constant 0 : i32
        %dma_wait3A_62 = arith.constant 0 : i32
        %dma_wait3A_63 = tpu.memref_slice %arg11[%dma_wait3A_61, %dma_wait3A_62] : memref<10240x128xf32, #tpu.memory_space<vmem_shared>> -> memref<10240x128xf32, #tpu.memory_space<vmem_shared>>
        tpu.wait_indirect_dma semaphore(%run_scoped3A : memref<!tpu.dma_semaphore, #tpu.memory_space<semaphore_mem>>) src(%arg9 : memref<128x128xf32, #tpu.memory_space<vmem>>) dst(%dma_wait3A_63 : memref<10240x128xf32, #tpu.memory_space<vmem_shared>>)
        tpu.yield
      }) : () -> ()
      %add3A_50 = arith.constant 1 : i32
      %add3A_51 = arith.addi %mul3A_25, %add3A_50 : i32
      "tpu.region"() ({
        %run_scoped3A = tpu.sem_alloc : memref<!tpu.dma_semaphore, #tpu.memory_space<semaphore_mem>>
        %dma_start3A_52 = arith.constant 0 : i32
        %dma_start3A_53 = tpu.memref_slice %arg8[%add3A_51, %dma_start3A_52] : memref<40x128xi32, #tpu.memory_space<vmem>> -> memref<1x128xi32, #tpu.memory_space<vmem>>
        %dma_start3A_54 = tpu.memref_squeeze %dma_start3A_53 : memref<1x128xi32, #tpu.memory_space<vmem>> -> memref<128xi32, #tpu.memory_space<vmem>>
        %dma_start3A_55 = arith.constant 0 : i32
        %dma_start3A_56 = arith.constant 0 : i32
        %dma_start3A_57 = tpu.memref_slice %arg11[%dma_start3A_55, %dma_start3A_56] : memref<10240x128xf32, #tpu.memory_space<vmem_shared>> -> memref<10240x128xf32, #tpu.memory_space<vmem_shared>>
        tpu.enqueue_indirect_dma source(%arg10 : memref<128x128xf32, #tpu.memory_space<vmem>>) target(%dma_start3A_57 : memref<10240x128xf32, #tpu.memory_space<vmem_shared>>) offsets(%dma_start3A_54 : memref<128xi32, #tpu.memory_space<vmem>>) semaphore(%run_scoped3A : memref<!tpu.dma_semaphore, #tpu.memory_space<semaphore_mem>>) {add = true}
        %dma_wait3A_58 = arith.constant 0 : i32
        %dma_wait3A_59 = tpu.memref_slice %arg8[%add3A_51, %dma_wait3A_58] : memref<40x128xi32, #tpu.memory_space<vmem>> -> memref<1x128xi32, #tpu.memory_space<vmem>>
        %dma_wait3A_60 = tpu.memref_squeeze %dma_wait3A_59 : memref<1x128xi32, #tpu.memory_space<vmem>> -> memref<128xi32, #tpu.memory_space<vmem>>
        %dma_wait3A_61 = arith.constant 0 : i32
        %dma_wait3A_62 = arith.constant 0 : i32
        %dma_wait3A_63 = tpu.memref_slice %arg11[%dma_wait3A_61, %dma_wait3A_62] : memref<10240x128xf32, #tpu.memory_space<vmem_shared>> -> memref<10240x128xf32, #tpu.memory_space<vmem_shared>>
        tpu.wait_indirect_dma semaphore(%run_scoped3A : memref<!tpu.dma_semaphore, #tpu.memory_space<semaphore_mem>>) src(%arg10 : memref<128x128xf32, #tpu.memory_space<vmem>>) dst(%dma_wait3A_63 : memref<10240x128xf32, #tpu.memory_space<vmem_shared>>)
        tpu.yield
      }) : () -> ()
    }
    %scan3A_13 = arith.constant 20 : i32
    %barrier3A_14 = arith.constant 0 : index
    tpu.barrier barrier_id(%barrier3A_14)
    %mul3A_15 = arith.constant 640 : i32
    %mul3A_16 = arith.muli %arg1, %mul3A_15 : i32
    %mul3A_17 = arith.constant 640 : i32
    %mul3A_18 = arith.muli %arg1, %mul3A_17 : i32
    "tpu.region"() ({
      %run_scoped3A = tpu.sem_alloc : memref<!tpu.dma_semaphore, #tpu.memory_space<semaphore_mem>>
      %dma_start3A = arith.constant 0 : i32
      %dma_start3A_19 = tpu.memref_slice %arg6[%arg0, %mul3A_18, %dma_start3A] : memref<2x10240x128xf32, #tpu.memory_space<hbm>> -> memref<1x640x128xf32, #tpu.memory_space<hbm>>
      %dma_start3A_20 = tpu.memref_squeeze %dma_start3A_19 : memref<1x640x128xf32, #tpu.memory_space<hbm>> -> memref<640x128xf32, #tpu.memory_space<hbm>>
      %dma_start3A_21 = arith.constant 0 : i32
      %dma_start3A_22 = tpu.memref_slice %arg11[%mul3A_16, %dma_start3A_21] : memref<10240x128xf32, #tpu.memory_space<vmem_shared>> -> memref<640x128xf32, #tpu.memory_space<vmem_shared>>
      tpu.enqueue_dma source(%dma_start3A_22 : memref<640x128xf32, #tpu.memory_space<vmem_shared>>) target(%dma_start3A_20 : memref<640x128xf32, #tpu.memory_space<hbm>>) target_semaphore(%run_scoped3A : memref<!tpu.dma_semaphore, #tpu.memory_space<semaphore_mem>>)
      %dma_wait3A = arith.constant 0 : i32
      %dma_wait3A_23 = tpu.memref_slice %arg6[%arg0, %mul3A_18, %dma_wait3A] : memref<2x10240x128xf32, #tpu.memory_space<hbm>> -> memref<1x640x128xf32, #tpu.memory_space<hbm>>
      %dma_wait3A_24 = tpu.memref_squeeze %dma_wait3A_23 : memref<1x640x128xf32, #tpu.memory_space<hbm>> -> memref<640x128xf32, #tpu.memory_space<hbm>>
      %dma_wait3A_25 = arith.constant 0 : i32
      %dma_wait3A_26 = tpu.memref_slice %arg11[%mul3A_16, %dma_wait3A_25] : memref<10240x128xf32, #tpu.memory_space<vmem_shared>> -> memref<640x128xf32, #tpu.memory_space<vmem_shared>>
      tpu.wait_dma2 semaphore(%run_scoped3A : memref<!tpu.dma_semaphore, #tpu.memory_space<semaphore_mem>>) src(%dma_wait3A_26 : memref<640x128xf32, #tpu.memory_space<vmem_shared>>) dst(%dma_wait3A_24 : memref<640x128xf32, #tpu.memory_space<hbm>>)
      tpu.yield
    }) : () -> ()
    return
  }
}

#map = affine_map<(d0, d1) -> (0, 0)>
#map1 = affine_map<(d0, d1) -> (0, 0, 0)>
module attributes {stable_mosaic.version = 14 : i64} {
  func.func @_sc_edges(%arg0: i32, %arg1: i32, %arg2: memref<10240x128xf32, #tpu.memory_space<hbm>>, %arg3: memref<32x80x128xi32, #tpu.memory_space<hbm>>, %arg4: memref<32x80x128xi32, #tpu.memory_space<hbm>>, %arg5: memref<10240x128xf32, #tpu.memory_space<hbm>>, %arg6: memref<2x10240x128xf32, #tpu.memory_space<hbm>>, %arg7: memref<40x128xi32, #tpu.memory_space<vmem>>, %arg8: memref<40x128xi32, #tpu.memory_space<vmem>>, %arg9: memref<128x128xf32, #tpu.memory_space<vmem>>, %arg10: memref<128x128xf32, #tpu.memory_space<vmem>>, %arg11: memref<10240x128xf32, #tpu.memory_space<vmem_shared>>, %arg12: memref<!tpu.dma_semaphore, #tpu.memory_space<semaphore_mem>>, %arg13: memref<!tpu.dma_semaphore, #tpu.memory_space<semaphore_mem>>) attributes {dimension_semantics = [#tpu.dimension_semantics<core_parallel>, #tpu.dimension_semantics<subcore_parallel>], iteration_bounds = array<i64: 2, 16>, scalar_prefetch = 0 : i64, scratch_operands = 7 : i64, tpu.core_type = #tpu.core_type<sc_vector_subcore>, window_params = [{transform_indices = #map}, {transform_indices = #map1}, {transform_indices = #map1}, {transform_indices = #map}, {transform_indices = #map1}]} {
    %mul3A = arith.constant 2 : i32
    %mul3A_0 = arith.muli %arg1, %mul3A : i32
    %add3A = arith.addi %mul3A_0, %arg0 : i32
    %mul3A_1 = arith.constant 640 : i32
    %mul3A_2 = arith.muli %arg1, %mul3A_1 : i32
    %mul3A_3 = arith.constant 640 : i32
    %mul3A_4 = arith.muli %arg1, %mul3A_3 : i32
    "tpu.region"() ({
      %run_scoped3A = tpu.sem_alloc : memref<!tpu.dma_semaphore, #tpu.memory_space<semaphore_mem>>
      %dma_start3A = arith.constant 0 : i32
      %dma_start3A_19 = tpu.memref_slice %arg11[%mul3A_4, %dma_start3A] : memref<10240x128xf32, #tpu.memory_space<vmem_shared>> -> memref<640x128xf32, #tpu.memory_space<vmem_shared>>
      %dma_start3A_20 = arith.constant 0 : i32
      %dma_start3A_21 = tpu.memref_slice %arg5[%mul3A_2, %dma_start3A_20] : memref<10240x128xf32, #tpu.memory_space<hbm>> -> memref<640x128xf32, #tpu.memory_space<hbm>>
      tpu.enqueue_dma source(%dma_start3A_21 : memref<640x128xf32, #tpu.memory_space<hbm>>) target(%dma_start3A_19 : memref<640x128xf32, #tpu.memory_space<vmem_shared>>) target_semaphore(%run_scoped3A : memref<!tpu.dma_semaphore, #tpu.memory_space<semaphore_mem>>)
      %dma_wait3A = arith.constant 0 : i32
      %dma_wait3A_22 = tpu.memref_slice %arg11[%mul3A_4, %dma_wait3A] : memref<10240x128xf32, #tpu.memory_space<vmem_shared>> -> memref<640x128xf32, #tpu.memory_space<vmem_shared>>
      %dma_wait3A_23 = arith.constant 0 : i32
      %dma_wait3A_24 = tpu.memref_slice %arg5[%mul3A_2, %dma_wait3A_23] : memref<10240x128xf32, #tpu.memory_space<hbm>> -> memref<640x128xf32, #tpu.memory_space<hbm>>
      tpu.wait_dma2 semaphore(%run_scoped3A : memref<!tpu.dma_semaphore, #tpu.memory_space<semaphore_mem>>) src(%dma_wait3A_24 : memref<640x128xf32, #tpu.memory_space<hbm>>) dst(%dma_wait3A_22 : memref<640x128xf32, #tpu.memory_space<vmem_shared>>)
      tpu.yield
    }) : () -> ()
    %barrier3A = arith.constant 0 : index
    tpu.barrier barrier_id(%barrier3A)
    "tpu.region"() ({
      %run_scoped3A = tpu.sem_alloc : memref<!tpu.dma_semaphore, #tpu.memory_space<semaphore_mem>>
      %dma_start3A = arith.constant 0 : i32
      %dma_start3A_19 = arith.constant 0 : i32
      %dma_start3A_20 = tpu.memref_slice %arg3[%add3A, %dma_start3A, %dma_start3A_19] : memref<32x80x128xi32, #tpu.memory_space<hbm>> -> memref<1x40x128xi32, #tpu.memory_space<hbm>>
      %dma_start3A_21 = tpu.memref_squeeze %dma_start3A_20 : memref<1x40x128xi32, #tpu.memory_space<hbm>> -> memref<40x128xi32, #tpu.memory_space<hbm>>
      %dma_start3A_22 = arith.constant 0 : i32
      %dma_start3A_23 = arith.constant 0 : i32
      %dma_start3A_24 = tpu.memref_slice %arg3[%add3A, %dma_start3A_22, %dma_start3A_23] : memref<32x80x128xi32, #tpu.memory_space<hbm>> -> memref<1x40x128xi32, #tpu.memory_space<hbm>>
      %dma_start3A_25 = tpu.memref_squeeze %dma_start3A_24 : memref<1x40x128xi32, #tpu.memory_space<hbm>> -> memref<40x128xi32, #tpu.memory_space<hbm>>
      tpu.enqueue_dma source(%dma_start3A_25 : memref<40x128xi32, #tpu.memory_space<hbm>>) target(%arg7 : memref<40x128xi32, #tpu.memory_space<vmem>>) target_semaphore(%run_scoped3A : memref<!tpu.dma_semaphore, #tpu.memory_space<semaphore_mem>>)
      %dma_wait3A = arith.constant 0 : i32
      %dma_wait3A_26 = arith.constant 0 : i32
      %dma_wait3A_27 = tpu.memref_slice %arg3[%add3A, %dma_wait3A, %dma_wait3A_26] : memref<32x80x128xi32, #tpu.memory_space<hbm>> -> memref<1x40x128xi32, #tpu.memory_space<hbm>>
      %dma_wait3A_28 = tpu.memref_squeeze %dma_wait3A_27 : memref<1x40x128xi32, #tpu.memory_space<hbm>> -> memref<40x128xi32, #tpu.memory_space<hbm>>
      %dma_wait3A_29 = arith.constant 0 : i32
      %dma_wait3A_30 = arith.constant 0 : i32
      %dma_wait3A_31 = tpu.memref_slice %arg3[%add3A, %dma_wait3A_29, %dma_wait3A_30] : memref<32x80x128xi32, #tpu.memory_space<hbm>> -> memref<1x40x128xi32, #tpu.memory_space<hbm>>
      %dma_wait3A_32 = tpu.memref_squeeze %dma_wait3A_31 : memref<1x40x128xi32, #tpu.memory_space<hbm>> -> memref<40x128xi32, #tpu.memory_space<hbm>>
      tpu.wait_dma2 semaphore(%run_scoped3A : memref<!tpu.dma_semaphore, #tpu.memory_space<semaphore_mem>>) src(%dma_wait3A_32 : memref<40x128xi32, #tpu.memory_space<hbm>>) dst(%arg7 : memref<40x128xi32, #tpu.memory_space<vmem>>)
      tpu.yield
    }) : () -> ()
    "tpu.region"() ({
      %run_scoped3A = tpu.sem_alloc : memref<!tpu.dma_semaphore, #tpu.memory_space<semaphore_mem>>
      %dma_start3A = arith.constant 0 : i32
      %dma_start3A_19 = arith.constant 0 : i32
      %dma_start3A_20 = tpu.memref_slice %arg4[%add3A, %dma_start3A, %dma_start3A_19] : memref<32x80x128xi32, #tpu.memory_space<hbm>> -> memref<1x40x128xi32, #tpu.memory_space<hbm>>
      %dma_start3A_21 = tpu.memref_squeeze %dma_start3A_20 : memref<1x40x128xi32, #tpu.memory_space<hbm>> -> memref<40x128xi32, #tpu.memory_space<hbm>>
      %dma_start3A_22 = arith.constant 0 : i32
      %dma_start3A_23 = arith.constant 0 : i32
      %dma_start3A_24 = tpu.memref_slice %arg4[%add3A, %dma_start3A_22, %dma_start3A_23] : memref<32x80x128xi32, #tpu.memory_space<hbm>> -> memref<1x40x128xi32, #tpu.memory_space<hbm>>
      %dma_start3A_25 = tpu.memref_squeeze %dma_start3A_24 : memref<1x40x128xi32, #tpu.memory_space<hbm>> -> memref<40x128xi32, #tpu.memory_space<hbm>>
      tpu.enqueue_dma source(%dma_start3A_25 : memref<40x128xi32, #tpu.memory_space<hbm>>) target(%arg8 : memref<40x128xi32, #tpu.memory_space<vmem>>) target_semaphore(%run_scoped3A : memref<!tpu.dma_semaphore, #tpu.memory_space<semaphore_mem>>)
      %dma_wait3A = arith.constant 0 : i32
      %dma_wait3A_26 = arith.constant 0 : i32
      %dma_wait3A_27 = tpu.memref_slice %arg4[%add3A, %dma_wait3A, %dma_wait3A_26] : memref<32x80x128xi32, #tpu.memory_space<hbm>> -> memref<1x40x128xi32, #tpu.memory_space<hbm>>
      %dma_wait3A_28 = tpu.memref_squeeze %dma_wait3A_27 : memref<1x40x128xi32, #tpu.memory_space<hbm>> -> memref<40x128xi32, #tpu.memory_space<hbm>>
      %dma_wait3A_29 = arith.constant 0 : i32
      %dma_wait3A_30 = arith.constant 0 : i32
      %dma_wait3A_31 = tpu.memref_slice %arg4[%add3A, %dma_wait3A_29, %dma_wait3A_30] : memref<32x80x128xi32, #tpu.memory_space<hbm>> -> memref<1x40x128xi32, #tpu.memory_space<hbm>>
      %dma_wait3A_32 = tpu.memref_squeeze %dma_wait3A_31 : memref<1x40x128xi32, #tpu.memory_space<hbm>> -> memref<40x128xi32, #tpu.memory_space<hbm>>
      tpu.wait_dma2 semaphore(%run_scoped3A : memref<!tpu.dma_semaphore, #tpu.memory_space<semaphore_mem>>) src(%dma_wait3A_32 : memref<40x128xi32, #tpu.memory_space<hbm>>) dst(%arg8 : memref<40x128xi32, #tpu.memory_space<vmem>>)
      tpu.yield
    }) : () -> ()
    %scan3A = arith.constant 0 : i32
    %scan3A_5 = arith.constant 20 : i32
    %scan3A_6 = arith.addi %scan3A, %scan3A_5 : i32
    %scan3A_7 = arith.constant 1 : i32
    scf.for %scan3A_19 = %scan3A to %scan3A_6 step %scan3A_7  : i32 {
      %mul3A_20 = arith.constant 1 : i32
      %mul3A_21 = arith.muli %scan3A_19, %mul3A_20 : i32
      %add3A_22 = arith.constant 0 : i32
      %add3A_23 = arith.addi %add3A_22, %mul3A_21 : i32
      %mul3A_24 = arith.constant 2 : i32
      %mul3A_25 = arith.muli %add3A_23, %mul3A_24 : i32
      %dma_start3A = arith.constant 0 : i32
      %dma_start3A_26 = tpu.memref_slice %arg7[%mul3A_25, %dma_start3A] : memref<40x128xi32, #tpu.memory_space<vmem>> -> memref<1x128xi32, #tpu.memory_space<vmem>>
      %dma_start3A_27 = tpu.memref_squeeze %dma_start3A_26 : memref<1x128xi32, #tpu.memory_space<vmem>> -> memref<128xi32, #tpu.memory_space<vmem>>
      %dma_start3A_28 = arith.constant 0 : i32
      %dma_start3A_29 = arith.constant 0 : i32
      %dma_start3A_30 = tpu.memref_slice %arg2[%dma_start3A_28, %dma_start3A_29] : memref<10240x128xf32, #tpu.memory_space<hbm>> -> memref<10240x128xf32, #tpu.memory_space<hbm>>
      tpu.enqueue_indirect_dma source(%dma_start3A_30 : memref<10240x128xf32, #tpu.memory_space<hbm>>) target(%arg9 : memref<128x128xf32, #tpu.memory_space<vmem>>) offsets(%dma_start3A_27 : memref<128xi32, #tpu.memory_space<vmem>>) semaphore(%arg12 : memref<!tpu.dma_semaphore, #tpu.memory_space<semaphore_mem>>)
      %add3A_31 = arith.constant 1 : i32
      %add3A_32 = arith.addi %mul3A_25, %add3A_31 : i32
      %dma_start3A_33 = arith.constant 0 : i32
      %dma_start3A_34 = tpu.memref_slice %arg7[%add3A_32, %dma_start3A_33] : memref<40x128xi32, #tpu.memory_space<vmem>> -> memref<1x128xi32, #tpu.memory_space<vmem>>
      %dma_start3A_35 = tpu.memref_squeeze %dma_start3A_34 : memref<1x128xi32, #tpu.memory_space<vmem>> -> memref<128xi32, #tpu.memory_space<vmem>>
      %dma_start3A_36 = arith.constant 0 : i32
      %dma_start3A_37 = arith.constant 0 : i32
      %dma_start3A_38 = tpu.memref_slice %arg2[%dma_start3A_36, %dma_start3A_37] : memref<10240x128xf32, #tpu.memory_space<hbm>> -> memref<10240x128xf32, #tpu.memory_space<hbm>>
      tpu.enqueue_indirect_dma source(%dma_start3A_38 : memref<10240x128xf32, #tpu.memory_space<hbm>>) target(%arg10 : memref<128x128xf32, #tpu.memory_space<vmem>>) offsets(%dma_start3A_35 : memref<128xi32, #tpu.memory_space<vmem>>) semaphore(%arg13 : memref<!tpu.dma_semaphore, #tpu.memory_space<semaphore_mem>>)
      %dma_wait3A = arith.constant 0 : i32
      %dma_wait3A_39 = tpu.memref_slice %arg7[%mul3A_25, %dma_wait3A] : memref<40x128xi32, #tpu.memory_space<vmem>> -> memref<1x128xi32, #tpu.memory_space<vmem>>
      %dma_wait3A_40 = tpu.memref_squeeze %dma_wait3A_39 : memref<1x128xi32, #tpu.memory_space<vmem>> -> memref<128xi32, #tpu.memory_space<vmem>>
      %dma_wait3A_41 = arith.constant 0 : i32
      %dma_wait3A_42 = arith.constant 0 : i32
      %dma_wait3A_43 = tpu.memref_slice %arg2[%dma_wait3A_41, %dma_wait3A_42] : memref<10240x128xf32, #tpu.memory_space<hbm>> -> memref<10240x128xf32, #tpu.memory_space<hbm>>
      tpu.wait_indirect_dma semaphore(%arg12 : memref<!tpu.dma_semaphore, #tpu.memory_space<semaphore_mem>>) src(%dma_wait3A_43 : memref<10240x128xf32, #tpu.memory_space<hbm>>) dst(%arg9 : memref<128x128xf32, #tpu.memory_space<vmem>>)
      %dma_wait3A_44 = arith.constant 0 : i32
      %dma_wait3A_45 = tpu.memref_slice %arg7[%add3A_32, %dma_wait3A_44] : memref<40x128xi32, #tpu.memory_space<vmem>> -> memref<1x128xi32, #tpu.memory_space<vmem>>
      %dma_wait3A_46 = tpu.memref_squeeze %dma_wait3A_45 : memref<1x128xi32, #tpu.memory_space<vmem>> -> memref<128xi32, #tpu.memory_space<vmem>>
      %dma_wait3A_47 = arith.constant 0 : i32
      %dma_wait3A_48 = arith.constant 0 : i32
      %dma_wait3A_49 = tpu.memref_slice %arg2[%dma_wait3A_47, %dma_wait3A_48] : memref<10240x128xf32, #tpu.memory_space<hbm>> -> memref<10240x128xf32, #tpu.memory_space<hbm>>
      tpu.wait_indirect_dma semaphore(%arg13 : memref<!tpu.dma_semaphore, #tpu.memory_space<semaphore_mem>>) src(%dma_wait3A_49 : memref<10240x128xf32, #tpu.memory_space<hbm>>) dst(%arg10 : memref<128x128xf32, #tpu.memory_space<vmem>>)
      "tpu.region"() ({
        %run_scoped3A = tpu.sem_alloc : memref<!tpu.dma_semaphore, #tpu.memory_space<semaphore_mem>>
        %dma_start3A_52 = arith.constant 0 : i32
        %dma_start3A_53 = tpu.memref_slice %arg8[%mul3A_25, %dma_start3A_52] : memref<40x128xi32, #tpu.memory_space<vmem>> -> memref<1x128xi32, #tpu.memory_space<vmem>>
        %dma_start3A_54 = tpu.memref_squeeze %dma_start3A_53 : memref<1x128xi32, #tpu.memory_space<vmem>> -> memref<128xi32, #tpu.memory_space<vmem>>
        %dma_start3A_55 = arith.constant 0 : i32
        %dma_start3A_56 = arith.constant 0 : i32
        %dma_start3A_57 = tpu.memref_slice %arg11[%dma_start3A_55, %dma_start3A_56] : memref<10240x128xf32, #tpu.memory_space<vmem_shared>> -> memref<10240x128xf32, #tpu.memory_space<vmem_shared>>
        tpu.enqueue_indirect_dma source(%arg9 : memref<128x128xf32, #tpu.memory_space<vmem>>) target(%dma_start3A_57 : memref<10240x128xf32, #tpu.memory_space<vmem_shared>>) offsets(%dma_start3A_54 : memref<128xi32, #tpu.memory_space<vmem>>) semaphore(%run_scoped3A : memref<!tpu.dma_semaphore, #tpu.memory_space<semaphore_mem>>) {add = true}
        %dma_wait3A_58 = arith.constant 0 : i32
        %dma_wait3A_59 = tpu.memref_slice %arg8[%mul3A_25, %dma_wait3A_58] : memref<40x128xi32, #tpu.memory_space<vmem>> -> memref<1x128xi32, #tpu.memory_space<vmem>>
        %dma_wait3A_60 = tpu.memref_squeeze %dma_wait3A_59 : memref<1x128xi32, #tpu.memory_space<vmem>> -> memref<128xi32, #tpu.memory_space<vmem>>
        %dma_wait3A_61 = arith.constant 0 : i32
        %dma_wait3A_62 = arith.constant 0 : i32
        %dma_wait3A_63 = tpu.memref_slice %arg11[%dma_wait3A_61, %dma_wait3A_62] : memref<10240x128xf32, #tpu.memory_space<vmem_shared>> -> memref<10240x128xf32, #tpu.memory_space<vmem_shared>>
        tpu.wait_indirect_dma semaphore(%run_scoped3A : memref<!tpu.dma_semaphore, #tpu.memory_space<semaphore_mem>>) src(%arg9 : memref<128x128xf32, #tpu.memory_space<vmem>>) dst(%dma_wait3A_63 : memref<10240x128xf32, #tpu.memory_space<vmem_shared>>)
        tpu.yield
      }) : () -> ()
      %add3A_50 = arith.constant 1 : i32
      %add3A_51 = arith.addi %mul3A_25, %add3A_50 : i32
      "tpu.region"() ({
        %run_scoped3A = tpu.sem_alloc : memref<!tpu.dma_semaphore, #tpu.memory_space<semaphore_mem>>
        %dma_start3A_52 = arith.constant 0 : i32
        %dma_start3A_53 = tpu.memref_slice %arg8[%add3A_51, %dma_start3A_52] : memref<40x128xi32, #tpu.memory_space<vmem>> -> memref<1x128xi32, #tpu.memory_space<vmem>>
        %dma_start3A_54 = tpu.memref_squeeze %dma_start3A_53 : memref<1x128xi32, #tpu.memory_space<vmem>> -> memref<128xi32, #tpu.memory_space<vmem>>
        %dma_start3A_55 = arith.constant 0 : i32
        %dma_start3A_56 = arith.constant 0 : i32
        %dma_start3A_57 = tpu.memref_slice %arg11[%dma_start3A_55, %dma_start3A_56] : memref<10240x128xf32, #tpu.memory_space<vmem_shared>> -> memref<10240x128xf32, #tpu.memory_space<vmem_shared>>
        tpu.enqueue_indirect_dma source(%arg10 : memref<128x128xf32, #tpu.memory_space<vmem>>) target(%dma_start3A_57 : memref<10240x128xf32, #tpu.memory_space<vmem_shared>>) offsets(%dma_start3A_54 : memref<128xi32, #tpu.memory_space<vmem>>) semaphore(%run_scoped3A : memref<!tpu.dma_semaphore, #tpu.memory_space<semaphore_mem>>) {add = true}
        %dma_wait3A_58 = arith.constant 0 : i32
        %dma_wait3A_59 = tpu.memref_slice %arg8[%add3A_51, %dma_wait3A_58] : memref<40x128xi32, #tpu.memory_space<vmem>> -> memref<1x128xi32, #tpu.memory_space<vmem>>
        %dma_wait3A_60 = tpu.memref_squeeze %dma_wait3A_59 : memref<1x128xi32, #tpu.memory_space<vmem>> -> memref<128xi32, #tpu.memory_space<vmem>>
        %dma_wait3A_61 = arith.constant 0 : i32
        %dma_wait3A_62 = arith.constant 0 : i32
        %dma_wait3A_63 = tpu.memref_slice %arg11[%dma_wait3A_61, %dma_wait3A_62] : memref<10240x128xf32, #tpu.memory_space<vmem_shared>> -> memref<10240x128xf32, #tpu.memory_space<vmem_shared>>
        tpu.wait_indirect_dma semaphore(%run_scoped3A : memref<!tpu.dma_semaphore, #tpu.memory_space<semaphore_mem>>) src(%arg10 : memref<128x128xf32, #tpu.memory_space<vmem>>) dst(%dma_wait3A_63 : memref<10240x128xf32, #tpu.memory_space<vmem_shared>>)
        tpu.yield
      }) : () -> ()
    }
    %scan3A_8 = arith.constant 20 : i32
    "tpu.region"() ({
      %run_scoped3A = tpu.sem_alloc : memref<!tpu.dma_semaphore, #tpu.memory_space<semaphore_mem>>
      %dma_start3A = arith.constant 40 : i32
      %dma_start3A_19 = arith.constant 0 : i32
      %dma_start3A_20 = tpu.memref_slice %arg3[%add3A, %dma_start3A, %dma_start3A_19] : memref<32x80x128xi32, #tpu.memory_space<hbm>> -> memref<1x40x128xi32, #tpu.memory_space<hbm>>
      %dma_start3A_21 = tpu.memref_squeeze %dma_start3A_20 : memref<1x40x128xi32, #tpu.memory_space<hbm>> -> memref<40x128xi32, #tpu.memory_space<hbm>>
      %dma_start3A_22 = arith.constant 40 : i32
      %dma_start3A_23 = arith.constant 0 : i32
      %dma_start3A_24 = tpu.memref_slice %arg3[%add3A, %dma_start3A_22, %dma_start3A_23] : memref<32x80x128xi32, #tpu.memory_space<hbm>> -> memref<1x40x128xi32, #tpu.memory_space<hbm>>
      %dma_start3A_25 = tpu.memref_squeeze %dma_start3A_24 : memref<1x40x128xi32, #tpu.memory_space<hbm>> -> memref<40x128xi32, #tpu.memory_space<hbm>>
      tpu.enqueue_dma source(%dma_start3A_25 : memref<40x128xi32, #tpu.memory_space<hbm>>) target(%arg7 : memref<40x128xi32, #tpu.memory_space<vmem>>) target_semaphore(%run_scoped3A : memref<!tpu.dma_semaphore, #tpu.memory_space<semaphore_mem>>)
      %dma_wait3A = arith.constant 40 : i32
      %dma_wait3A_26 = arith.constant 0 : i32
      %dma_wait3A_27 = tpu.memref_slice %arg3[%add3A, %dma_wait3A, %dma_wait3A_26] : memref<32x80x128xi32, #tpu.memory_space<hbm>> -> memref<1x40x128xi32, #tpu.memory_space<hbm>>
      %dma_wait3A_28 = tpu.memref_squeeze %dma_wait3A_27 : memref<1x40x128xi32, #tpu.memory_space<hbm>> -> memref<40x128xi32, #tpu.memory_space<hbm>>
      %dma_wait3A_29 = arith.constant 40 : i32
      %dma_wait3A_30 = arith.constant 0 : i32
      %dma_wait3A_31 = tpu.memref_slice %arg3[%add3A, %dma_wait3A_29, %dma_wait3A_30] : memref<32x80x128xi32, #tpu.memory_space<hbm>> -> memref<1x40x128xi32, #tpu.memory_space<hbm>>
      %dma_wait3A_32 = tpu.memref_squeeze %dma_wait3A_31 : memref<1x40x128xi32, #tpu.memory_space<hbm>> -> memref<40x128xi32, #tpu.memory_space<hbm>>
      tpu.wait_dma2 semaphore(%run_scoped3A : memref<!tpu.dma_semaphore, #tpu.memory_space<semaphore_mem>>) src(%dma_wait3A_32 : memref<40x128xi32, #tpu.memory_space<hbm>>) dst(%arg7 : memref<40x128xi32, #tpu.memory_space<vmem>>)
      tpu.yield
    }) : () -> ()
    "tpu.region"() ({
      %run_scoped3A = tpu.sem_alloc : memref<!tpu.dma_semaphore, #tpu.memory_space<semaphore_mem>>
      %dma_start3A = arith.constant 40 : i32
      %dma_start3A_19 = arith.constant 0 : i32
      %dma_start3A_20 = tpu.memref_slice %arg4[%add3A, %dma_start3A, %dma_start3A_19] : memref<32x80x128xi32, #tpu.memory_space<hbm>> -> memref<1x40x128xi32, #tpu.memory_space<hbm>>
      %dma_start3A_21 = tpu.memref_squeeze %dma_start3A_20 : memref<1x40x128xi32, #tpu.memory_space<hbm>> -> memref<40x128xi32, #tpu.memory_space<hbm>>
      %dma_start3A_22 = arith.constant 40 : i32
      %dma_start3A_23 = arith.constant 0 : i32
      %dma_start3A_24 = tpu.memref_slice %arg4[%add3A, %dma_start3A_22, %dma_start3A_23] : memref<32x80x128xi32, #tpu.memory_space<hbm>> -> memref<1x40x128xi32, #tpu.memory_space<hbm>>
      %dma_start3A_25 = tpu.memref_squeeze %dma_start3A_24 : memref<1x40x128xi32, #tpu.memory_space<hbm>> -> memref<40x128xi32, #tpu.memory_space<hbm>>
      tpu.enqueue_dma source(%dma_start3A_25 : memref<40x128xi32, #tpu.memory_space<hbm>>) target(%arg8 : memref<40x128xi32, #tpu.memory_space<vmem>>) target_semaphore(%run_scoped3A : memref<!tpu.dma_semaphore, #tpu.memory_space<semaphore_mem>>)
      %dma_wait3A = arith.constant 40 : i32
      %dma_wait3A_26 = arith.constant 0 : i32
      %dma_wait3A_27 = tpu.memref_slice %arg4[%add3A, %dma_wait3A, %dma_wait3A_26] : memref<32x80x128xi32, #tpu.memory_space<hbm>> -> memref<1x40x128xi32, #tpu.memory_space<hbm>>
      %dma_wait3A_28 = tpu.memref_squeeze %dma_wait3A_27 : memref<1x40x128xi32, #tpu.memory_space<hbm>> -> memref<40x128xi32, #tpu.memory_space<hbm>>
      %dma_wait3A_29 = arith.constant 40 : i32
      %dma_wait3A_30 = arith.constant 0 : i32
      %dma_wait3A_31 = tpu.memref_slice %arg4[%add3A, %dma_wait3A_29, %dma_wait3A_30] : memref<32x80x128xi32, #tpu.memory_space<hbm>> -> memref<1x40x128xi32, #tpu.memory_space<hbm>>
      %dma_wait3A_32 = tpu.memref_squeeze %dma_wait3A_31 : memref<1x40x128xi32, #tpu.memory_space<hbm>> -> memref<40x128xi32, #tpu.memory_space<hbm>>
      tpu.wait_dma2 semaphore(%run_scoped3A : memref<!tpu.dma_semaphore, #tpu.memory_space<semaphore_mem>>) src(%dma_wait3A_32 : memref<40x128xi32, #tpu.memory_space<hbm>>) dst(%arg8 : memref<40x128xi32, #tpu.memory_space<vmem>>)
      tpu.yield
    }) : () -> ()
    %scan3A_9 = arith.constant 0 : i32
    %scan3A_10 = arith.constant 20 : i32
    %scan3A_11 = arith.addi %scan3A_9, %scan3A_10 : i32
    %scan3A_12 = arith.constant 1 : i32
    scf.for %scan3A_19 = %scan3A_9 to %scan3A_11 step %scan3A_12  : i32 {
      %mul3A_20 = arith.constant 1 : i32
      %mul3A_21 = arith.muli %scan3A_19, %mul3A_20 : i32
      %add3A_22 = arith.constant 0 : i32
      %add3A_23 = arith.addi %add3A_22, %mul3A_21 : i32
      %mul3A_24 = arith.constant 2 : i32
      %mul3A_25 = arith.muli %add3A_23, %mul3A_24 : i32
      %dma_start3A = arith.constant 0 : i32
      %dma_start3A_26 = tpu.memref_slice %arg7[%mul3A_25, %dma_start3A] : memref<40x128xi32, #tpu.memory_space<vmem>> -> memref<1x128xi32, #tpu.memory_space<vmem>>
      %dma_start3A_27 = tpu.memref_squeeze %dma_start3A_26 : memref<1x128xi32, #tpu.memory_space<vmem>> -> memref<128xi32, #tpu.memory_space<vmem>>
      %dma_start3A_28 = arith.constant 0 : i32
      %dma_start3A_29 = arith.constant 0 : i32
      %dma_start3A_30 = tpu.memref_slice %arg2[%dma_start3A_28, %dma_start3A_29] : memref<10240x128xf32, #tpu.memory_space<hbm>> -> memref<10240x128xf32, #tpu.memory_space<hbm>>
      tpu.enqueue_indirect_dma source(%dma_start3A_30 : memref<10240x128xf32, #tpu.memory_space<hbm>>) target(%arg9 : memref<128x128xf32, #tpu.memory_space<vmem>>) offsets(%dma_start3A_27 : memref<128xi32, #tpu.memory_space<vmem>>) semaphore(%arg12 : memref<!tpu.dma_semaphore, #tpu.memory_space<semaphore_mem>>)
      %add3A_31 = arith.constant 1 : i32
      %add3A_32 = arith.addi %mul3A_25, %add3A_31 : i32
      %dma_start3A_33 = arith.constant 0 : i32
      %dma_start3A_34 = tpu.memref_slice %arg7[%add3A_32, %dma_start3A_33] : memref<40x128xi32, #tpu.memory_space<vmem>> -> memref<1x128xi32, #tpu.memory_space<vmem>>
      %dma_start3A_35 = tpu.memref_squeeze %dma_start3A_34 : memref<1x128xi32, #tpu.memory_space<vmem>> -> memref<128xi32, #tpu.memory_space<vmem>>
      %dma_start3A_36 = arith.constant 0 : i32
      %dma_start3A_37 = arith.constant 0 : i32
      %dma_start3A_38 = tpu.memref_slice %arg2[%dma_start3A_36, %dma_start3A_37] : memref<10240x128xf32, #tpu.memory_space<hbm>> -> memref<10240x128xf32, #tpu.memory_space<hbm>>
      tpu.enqueue_indirect_dma source(%dma_start3A_38 : memref<10240x128xf32, #tpu.memory_space<hbm>>) target(%arg10 : memref<128x128xf32, #tpu.memory_space<vmem>>) offsets(%dma_start3A_35 : memref<128xi32, #tpu.memory_space<vmem>>) semaphore(%arg13 : memref<!tpu.dma_semaphore, #tpu.memory_space<semaphore_mem>>)
      %dma_wait3A = arith.constant 0 : i32
      %dma_wait3A_39 = tpu.memref_slice %arg7[%mul3A_25, %dma_wait3A] : memref<40x128xi32, #tpu.memory_space<vmem>> -> memref<1x128xi32, #tpu.memory_space<vmem>>
      %dma_wait3A_40 = tpu.memref_squeeze %dma_wait3A_39 : memref<1x128xi32, #tpu.memory_space<vmem>> -> memref<128xi32, #tpu.memory_space<vmem>>
      %dma_wait3A_41 = arith.constant 0 : i32
      %dma_wait3A_42 = arith.constant 0 : i32
      %dma_wait3A_43 = tpu.memref_slice %arg2[%dma_wait3A_41, %dma_wait3A_42] : memref<10240x128xf32, #tpu.memory_space<hbm>> -> memref<10240x128xf32, #tpu.memory_space<hbm>>
      tpu.wait_indirect_dma semaphore(%arg12 : memref<!tpu.dma_semaphore, #tpu.memory_space<semaphore_mem>>) src(%dma_wait3A_43 : memref<10240x128xf32, #tpu.memory_space<hbm>>) dst(%arg9 : memref<128x128xf32, #tpu.memory_space<vmem>>)
      %dma_wait3A_44 = arith.constant 0 : i32
      %dma_wait3A_45 = tpu.memref_slice %arg7[%add3A_32, %dma_wait3A_44] : memref<40x128xi32, #tpu.memory_space<vmem>> -> memref<1x128xi32, #tpu.memory_space<vmem>>
      %dma_wait3A_46 = tpu.memref_squeeze %dma_wait3A_45 : memref<1x128xi32, #tpu.memory_space<vmem>> -> memref<128xi32, #tpu.memory_space<vmem>>
      %dma_wait3A_47 = arith.constant 0 : i32
      %dma_wait3A_48 = arith.constant 0 : i32
      %dma_wait3A_49 = tpu.memref_slice %arg2[%dma_wait3A_47, %dma_wait3A_48] : memref<10240x128xf32, #tpu.memory_space<hbm>> -> memref<10240x128xf32, #tpu.memory_space<hbm>>
      tpu.wait_indirect_dma semaphore(%arg13 : memref<!tpu.dma_semaphore, #tpu.memory_space<semaphore_mem>>) src(%dma_wait3A_49 : memref<10240x128xf32, #tpu.memory_space<hbm>>) dst(%arg10 : memref<128x128xf32, #tpu.memory_space<vmem>>)
      "tpu.region"() ({
        %run_scoped3A = tpu.sem_alloc : memref<!tpu.dma_semaphore, #tpu.memory_space<semaphore_mem>>
        %dma_start3A_52 = arith.constant 0 : i32
        %dma_start3A_53 = tpu.memref_slice %arg8[%mul3A_25, %dma_start3A_52] : memref<40x128xi32, #tpu.memory_space<vmem>> -> memref<1x128xi32, #tpu.memory_space<vmem>>
        %dma_start3A_54 = tpu.memref_squeeze %dma_start3A_53 : memref<1x128xi32, #tpu.memory_space<vmem>> -> memref<128xi32, #tpu.memory_space<vmem>>
        %dma_start3A_55 = arith.constant 0 : i32
        %dma_start3A_56 = arith.constant 0 : i32
        %dma_start3A_57 = tpu.memref_slice %arg11[%dma_start3A_55, %dma_start3A_56] : memref<10240x128xf32, #tpu.memory_space<vmem_shared>> -> memref<10240x128xf32, #tpu.memory_space<vmem_shared>>
        tpu.enqueue_indirect_dma source(%arg9 : memref<128x128xf32, #tpu.memory_space<vmem>>) target(%dma_start3A_57 : memref<10240x128xf32, #tpu.memory_space<vmem_shared>>) offsets(%dma_start3A_54 : memref<128xi32, #tpu.memory_space<vmem>>) semaphore(%run_scoped3A : memref<!tpu.dma_semaphore, #tpu.memory_space<semaphore_mem>>) {add = true}
        %dma_wait3A_58 = arith.constant 0 : i32
        %dma_wait3A_59 = tpu.memref_slice %arg8[%mul3A_25, %dma_wait3A_58] : memref<40x128xi32, #tpu.memory_space<vmem>> -> memref<1x128xi32, #tpu.memory_space<vmem>>
        %dma_wait3A_60 = tpu.memref_squeeze %dma_wait3A_59 : memref<1x128xi32, #tpu.memory_space<vmem>> -> memref<128xi32, #tpu.memory_space<vmem>>
        %dma_wait3A_61 = arith.constant 0 : i32
        %dma_wait3A_62 = arith.constant 0 : i32
        %dma_wait3A_63 = tpu.memref_slice %arg11[%dma_wait3A_61, %dma_wait3A_62] : memref<10240x128xf32, #tpu.memory_space<vmem_shared>> -> memref<10240x128xf32, #tpu.memory_space<vmem_shared>>
        tpu.wait_indirect_dma semaphore(%run_scoped3A : memref<!tpu.dma_semaphore, #tpu.memory_space<semaphore_mem>>) src(%arg9 : memref<128x128xf32, #tpu.memory_space<vmem>>) dst(%dma_wait3A_63 : memref<10240x128xf32, #tpu.memory_space<vmem_shared>>)
        tpu.yield
      }) : () -> ()
      %add3A_50 = arith.constant 1 : i32
      %add3A_51 = arith.addi %mul3A_25, %add3A_50 : i32
      "tpu.region"() ({
        %run_scoped3A = tpu.sem_alloc : memref<!tpu.dma_semaphore, #tpu.memory_space<semaphore_mem>>
        %dma_start3A_52 = arith.constant 0 : i32
        %dma_start3A_53 = tpu.memref_slice %arg8[%add3A_51, %dma_start3A_52] : memref<40x128xi32, #tpu.memory_space<vmem>> -> memref<1x128xi32, #tpu.memory_space<vmem>>
        %dma_start3A_54 = tpu.memref_squeeze %dma_start3A_53 : memref<1x128xi32, #tpu.memory_space<vmem>> -> memref<128xi32, #tpu.memory_space<vmem>>
        %dma_start3A_55 = arith.constant 0 : i32
        %dma_start3A_56 = arith.constant 0 : i32
        %dma_start3A_57 = tpu.memref_slice %arg11[%dma_start3A_55, %dma_start3A_56] : memref<10240x128xf32, #tpu.memory_space<vmem_shared>> -> memref<10240x128xf32, #tpu.memory_space<vmem_shared>>
        tpu.enqueue_indirect_dma source(%arg10 : memref<128x128xf32, #tpu.memory_space<vmem>>) target(%dma_start3A_57 : memref<10240x128xf32, #tpu.memory_space<vmem_shared>>) offsets(%dma_start3A_54 : memref<128xi32, #tpu.memory_space<vmem>>) semaphore(%run_scoped3A : memref<!tpu.dma_semaphore, #tpu.memory_space<semaphore_mem>>) {add = true}
        %dma_wait3A_58 = arith.constant 0 : i32
        %dma_wait3A_59 = tpu.memref_slice %arg8[%add3A_51, %dma_wait3A_58] : memref<40x128xi32, #tpu.memory_space<vmem>> -> memref<1x128xi32, #tpu.memory_space<vmem>>
        %dma_wait3A_60 = tpu.memref_squeeze %dma_wait3A_59 : memref<1x128xi32, #tpu.memory_space<vmem>> -> memref<128xi32, #tpu.memory_space<vmem>>
        %dma_wait3A_61 = arith.constant 0 : i32
        %dma_wait3A_62 = arith.constant 0 : i32
        %dma_wait3A_63 = tpu.memref_slice %arg11[%dma_wait3A_61, %dma_wait3A_62] : memref<10240x128xf32, #tpu.memory_space<vmem_shared>> -> memref<10240x128xf32, #tpu.memory_space<vmem_shared>>
        tpu.wait_indirect_dma semaphore(%run_scoped3A : memref<!tpu.dma_semaphore, #tpu.memory_space<semaphore_mem>>) src(%arg10 : memref<128x128xf32, #tpu.memory_space<vmem>>) dst(%dma_wait3A_63 : memref<10240x128xf32, #tpu.memory_space<vmem_shared>>)
        tpu.yield
      }) : () -> ()
    }
    %scan3A_13 = arith.constant 20 : i32
    %barrier3A_14 = arith.constant 0 : index
    tpu.barrier barrier_id(%barrier3A_14)
    %mul3A_15 = arith.constant 640 : i32
    %mul3A_16 = arith.muli %arg1, %mul3A_15 : i32
    %mul3A_17 = arith.constant 640 : i32
    %mul3A_18 = arith.muli %arg1, %mul3A_17 : i32
    "tpu.region"() ({
      %run_scoped3A = tpu.sem_alloc : memref<!tpu.dma_semaphore, #tpu.memory_space<semaphore_mem>>
      %dma_start3A = arith.constant 0 : i32
      %dma_start3A_19 = tpu.memref_slice %arg6[%arg0, %mul3A_18, %dma_start3A] : memref<2x10240x128xf32, #tpu.memory_space<hbm>> -> memref<1x640x128xf32, #tpu.memory_space<hbm>>
      %dma_start3A_20 = tpu.memref_squeeze %dma_start3A_19 : memref<1x640x128xf32, #tpu.memory_space<hbm>> -> memref<640x128xf32, #tpu.memory_space<hbm>>
      %dma_start3A_21 = arith.constant 0 : i32
      %dma_start3A_22 = tpu.memref_slice %arg11[%mul3A_16, %dma_start3A_21] : memref<10240x128xf32, #tpu.memory_space<vmem_shared>> -> memref<640x128xf32, #tpu.memory_space<vmem_shared>>
      tpu.enqueue_dma source(%dma_start3A_22 : memref<640x128xf32, #tpu.memory_space<vmem_shared>>) target(%dma_start3A_20 : memref<640x128xf32, #tpu.memory_space<hbm>>) target_semaphore(%run_scoped3A : memref<!tpu.dma_semaphore, #tpu.memory_space<semaphore_mem>>)
      %dma_wait3A = arith.constant 0 : i32
      %dma_wait3A_23 = tpu.memref_slice %arg6[%arg0, %mul3A_18, %dma_wait3A] : memref<2x10240x128xf32, #tpu.memory_space<hbm>> -> memref<1x640x128xf32, #tpu.memory_space<hbm>>
      %dma_wait3A_24 = tpu.memref_squeeze %dma_wait3A_23 : memref<1x640x128xf32, #tpu.memory_space<hbm>> -> memref<640x128xf32, #tpu.memory_space<hbm>>
      %dma_wait3A_25 = arith.constant 0 : i32
      %dma_wait3A_26 = tpu.memref_slice %arg11[%mul3A_16, %dma_wait3A_25] : memref<10240x128xf32, #tpu.memory_space<vmem_shared>> -> memref<640x128xf32, #tpu.memory_space<vmem_shared>>
      tpu.wait_dma2 semaphore(%run_scoped3A : memref<!tpu.dma_semaphore, #tpu.memory_space<semaphore_mem>>) src(%dma_wait3A_26 : memref<640x128xf32, #tpu.memory_space<vmem_shared>>) dst(%dma_wait3A_24 : memref<640x128xf32, #tpu.memory_space<hbm>>)
      tpu.yield
    }) : () -> ()
    return
  }
}

#map = affine_map<(d0, d1) -> (0, 0, 0)>
#map1 = affine_map<(d0, d1) -> (0, 0)>
module attributes {stable_mosaic.version = 14 : i64} {
  func.func @_sc_degree(%arg0: i32, %arg1: i32, %arg2: memref<32x80x128xi32, #tpu.memory_space<hbm>>, %arg3: memref<10240x16xf32, #tpu.memory_space<hbm>>, %arg4: memref<2x10240x16xf32, #tpu.memory_space<hbm>>, %arg5: memref<80x128xi32, #tpu.memory_space<vmem>>, %arg6: memref<128x16xf32, #tpu.memory_space<vmem>>, %arg7: memref<10240x16xf32, #tpu.memory_space<vmem_shared>>) attributes {dimension_semantics = [#tpu.dimension_semantics<core_parallel>, #tpu.dimension_semantics<subcore_parallel>], iteration_bounds = array<i64: 2, 16>, scalar_prefetch = 0 : i64, scratch_operands = 3 : i64, tpu.core_type = #tpu.core_type<sc_vector_subcore>, window_params = [{transform_indices = #map}, {transform_indices = #map1}, {transform_indices = #map}]} {
    %mul3A = arith.constant 2 : i32
    %mul3A_0 = arith.muli %arg1, %mul3A : i32
    %add3A = arith.addi %mul3A_0, %arg0 : i32
    "tpu.region"() ({
      %run_scoped3A = tpu.sem_alloc : memref<!tpu.dma_semaphore, #tpu.memory_space<semaphore_mem>>
      %dma_start3A = arith.constant 0 : i32
      %dma_start3A_19 = arith.constant 0 : i32
      %dma_start3A_20 = tpu.memref_slice %arg2[%add3A, %dma_start3A, %dma_start3A_19] : memref<32x80x128xi32, #tpu.memory_space<hbm>> -> memref<1x80x128xi32, #tpu.memory_space<hbm>>
      %dma_start3A_21 = tpu.memref_squeeze %dma_start3A_20 : memref<1x80x128xi32, #tpu.memory_space<hbm>> -> memref<80x128xi32, #tpu.memory_space<hbm>>
      %dma_start3A_22 = arith.constant 0 : i32
      %dma_start3A_23 = arith.constant 0 : i32
      %dma_start3A_24 = tpu.memref_slice %arg2[%add3A, %dma_start3A_22, %dma_start3A_23] : memref<32x80x128xi32, #tpu.memory_space<hbm>> -> memref<1x80x128xi32, #tpu.memory_space<hbm>>
      %dma_start3A_25 = tpu.memref_squeeze %dma_start3A_24 : memref<1x80x128xi32, #tpu.memory_space<hbm>> -> memref<80x128xi32, #tpu.memory_space<hbm>>
      tpu.enqueue_dma source(%dma_start3A_25 : memref<80x128xi32, #tpu.memory_space<hbm>>) target(%arg5 : memref<80x128xi32, #tpu.memory_space<vmem>>) target_semaphore(%run_scoped3A : memref<!tpu.dma_semaphore, #tpu.memory_space<semaphore_mem>>)
      %dma_wait3A = arith.constant 0 : i32
      %dma_wait3A_26 = arith.constant 0 : i32
      %dma_wait3A_27 = tpu.memref_slice %arg2[%add3A, %dma_wait3A, %dma_wait3A_26] : memref<32x80x128xi32, #tpu.memory_space<hbm>> -> memref<1x80x128xi32, #tpu.memory_space<hbm>>
      %dma_wait3A_28 = tpu.memref_squeeze %dma_wait3A_27 : memref<1x80x128xi32, #tpu.memory_space<hbm>> -> memref<80x128xi32, #tpu.memory_space<hbm>>
      %dma_wait3A_29 = arith.constant 0 : i32
      %dma_wait3A_30 = arith.constant 0 : i32
      %dma_wait3A_31 = tpu.memref_slice %arg2[%add3A, %dma_wait3A_29, %dma_wait3A_30] : memref<32x80x128xi32, #tpu.memory_space<hbm>> -> memref<1x80x128xi32, #tpu.memory_space<hbm>>
      %dma_wait3A_32 = tpu.memref_squeeze %dma_wait3A_31 : memref<1x80x128xi32, #tpu.memory_space<hbm>> -> memref<80x128xi32, #tpu.memory_space<hbm>>
      tpu.wait_dma2 semaphore(%run_scoped3A : memref<!tpu.dma_semaphore, #tpu.memory_space<semaphore_mem>>) src(%dma_wait3A_32 : memref<80x128xi32, #tpu.memory_space<hbm>>) dst(%arg5 : memref<80x128xi32, #tpu.memory_space<vmem>>)
      tpu.yield
    }) : () -> ()
    %scan3A = arith.constant 0 : i32
    %scan3A_1 = arith.constant 128 : i32
    %scan3A_2 = arith.addi %scan3A, %scan3A_1 : i32
    %scan3A_3 = arith.constant 1 : i32
    scf.for %scan3A_19 = %scan3A to %scan3A_2 step %scan3A_3  : i32 {
      %mul3A_20 = arith.constant 1 : i32
      %mul3A_21 = arith.muli %scan3A_19, %mul3A_20 : i32
      %add3A_22 = arith.constant 0 : i32
      %add3A_23 = arith.addi %add3A_22, %mul3A_21 : i32
      %broadcast_in_dim3A = arith.constant 1.000000e+00 : f32
      %broadcast_in_dim3A_24 = vector.broadcast %broadcast_in_dim3A : f32 to vector<16xf32>
      %swap3A = arith.index_cast %add3A_23 : i32 to index
      %swap3A_25 = arith.constant 0 : index
      %swap3A_26 = tpu.vector_load %arg6[%swap3A, %swap3A_25] {strides = array<i32>} : memref<128x16xf32, #tpu.memory_space<vmem>>, vector<1x16xf32>,
      %swap3A_27 = vector.shape_cast %swap3A_26 : vector<1x16xf32> to vector<16xf32>
      %swap3A_28 = vector.shape_cast %broadcast_in_dim3A_24 : vector<16xf32> to vector<1x16xf32>
      tpu.vector_store %arg6[%swap3A, %swap3A_25], %swap3A_28 {strides = array<i32>} : memref<128x16xf32, #tpu.memory_space<vmem>>, vector<1x16xf32>,
    }
    %scan3A_4 = arith.constant 128 : i32
    %mul3A_5 = arith.constant 640 : i32
    %mul3A_6 = arith.muli %arg1, %mul3A_5 : i32
    %mul3A_7 = arith.constant 640 : i32
    %mul3A_8 = arith.muli %arg1, %mul3A_7 : i32
    "tpu.region"() ({
      %run_scoped3A = tpu.sem_alloc : memref<!tpu.dma_semaphore, #tpu.memory_space<semaphore_mem>>
      %dma_start3A = arith.constant 0 : i32
      %dma_start3A_19 = tpu.memref_slice %arg7[%mul3A_8, %dma_start3A] : memref<10240x16xf32, #tpu.memory_space<vmem_shared>> -> memref<640x16xf32, #tpu.memory_space<vmem_shared>>
      %dma_start3A_20 = arith.constant 0 : i32
      %dma_start3A_21 = tpu.memref_slice %arg3[%mul3A_6, %dma_start3A_20] : memref<10240x16xf32, #tpu.memory_space<hbm>> -> memref<640x16xf32, #tpu.memory_space<hbm>>
      tpu.enqueue_dma source(%dma_start3A_21 : memref<640x16xf32, #tpu.memory_space<hbm>>) target(%dma_start3A_19 : memref<640x16xf32, #tpu.memory_space<vmem_shared>>) target_semaphore(%run_scoped3A : memref<!tpu.dma_semaphore, #tpu.memory_space<semaphore_mem>>)
      %dma_wait3A = arith.constant 0 : i32
      %dma_wait3A_22 = tpu.memref_slice %arg7[%mul3A_8, %dma_wait3A] : memref<10240x16xf32, #tpu.memory_space<vmem_shared>> -> memref<640x16xf32, #tpu.memory_space<vmem_shared>>
      %dma_wait3A_23 = arith.constant 0 : i32
      %dma_wait3A_24 = tpu.memref_slice %arg3[%mul3A_6, %dma_wait3A_23] : memref<10240x16xf32, #tpu.memory_space<hbm>> -> memref<640x16xf32, #tpu.memory_space<hbm>>
      tpu.wait_dma2 semaphore(%run_scoped3A : memref<!tpu.dma_semaphore, #tpu.memory_space<semaphore_mem>>) src(%dma_wait3A_24 : memref<640x16xf32, #tpu.memory_space<hbm>>) dst(%dma_wait3A_22 : memref<640x16xf32, #tpu.memory_space<vmem_shared>>)
      tpu.yield
    }) : () -> ()
    %barrier3A = arith.constant 0 : index
    tpu.barrier barrier_id(%barrier3A)
    %scan3A_9 = arith.constant 0 : i32
    %scan3A_10 = arith.constant 80 : i32
    %scan3A_11 = arith.addi %scan3A_9, %scan3A_10 : i32
    %scan3A_12 = arith.constant 1 : i32
    scf.for %scan3A_19 = %scan3A_9 to %scan3A_11 step %scan3A_12  : i32 {
      %mul3A_20 = arith.constant 1 : i32
      %mul3A_21 = arith.muli %scan3A_19, %mul3A_20 : i32
      %add3A_22 = arith.constant 0 : i32
      %add3A_23 = arith.addi %add3A_22, %mul3A_21 : i32
      "tpu.region"() ({
        %run_scoped3A = tpu.sem_alloc : memref<!tpu.dma_semaphore, #tpu.memory_space<semaphore_mem>>
        %dma_start3A = arith.constant 0 : i32
        %dma_start3A_24 = tpu.memref_slice %arg5[%add3A_23, %dma_start3A] : memref<80x128xi32, #tpu.memory_space<vmem>> -> memref<1x128xi32, #tpu.memory_space<vmem>>
        %dma_start3A_25 = tpu.memref_squeeze %dma_start3A_24 : memref<1x128xi32, #tpu.memory_space<vmem>> -> memref<128xi32, #tpu.memory_space<vmem>>
        %dma_start3A_26 = arith.constant 0 : i32
        %dma_start3A_27 = arith.constant 0 : i32
        %dma_start3A_28 = tpu.memref_slice %arg7[%dma_start3A_26, %dma_start3A_27] : memref<10240x16xf32, #tpu.memory_space<vmem_shared>> -> memref<10240x16xf32, #tpu.memory_space<vmem_shared>>
        tpu.enqueue_indirect_dma source(%arg6 : memref<128x16xf32, #tpu.memory_space<vmem>>) target(%dma_start3A_28 : memref<10240x16xf32, #tpu.memory_space<vmem_shared>>) offsets(%dma_start3A_25 : memref<128xi32, #tpu.memory_space<vmem>>) semaphore(%run_scoped3A : memref<!tpu.dma_semaphore, #tpu.memory_space<semaphore_mem>>) {add = true}
        %dma_wait3A = arith.constant 0 : i32
        %dma_wait3A_29 = tpu.memref_slice %arg5[%add3A_23, %dma_wait3A] : memref<80x128xi32, #tpu.memory_space<vmem>> -> memref<1x128xi32, #tpu.memory_space<vmem>>
        %dma_wait3A_30 = tpu.memref_squeeze %dma_wait3A_29 : memref<1x128xi32, #tpu.memory_space<vmem>> -> memref<128xi32, #tpu.memory_space<vmem>>
        %dma_wait3A_31 = arith.constant 0 : i32
        %dma_wait3A_32 = arith.constant 0 : i32
        %dma_wait3A_33 = tpu.memref_slice %arg7[%dma_wait3A_31, %dma_wait3A_32] : memref<10240x16xf32, #tpu.memory_space<vmem_shared>> -> memref<10240x16xf32, #tpu.memory_space<vmem_shared>>
        tpu.wait_indirect_dma semaphore(%run_scoped3A : memref<!tpu.dma_semaphore, #tpu.memory_space<semaphore_mem>>) src(%arg6 : memref<128x16xf32, #tpu.memory_space<vmem>>) dst(%dma_wait3A_33 : memref<10240x16xf32, #tpu.memory_space<vmem_shared>>)
        tpu.yield
      }) : () -> ()
    }
    %scan3A_13 = arith.constant 80 : i32
    %barrier3A_14 = arith.constant 0 : index
    tpu.barrier barrier_id(%barrier3A_14)
    %mul3A_15 = arith.constant 640 : i32
    %mul3A_16 = arith.muli %arg1, %mul3A_15 : i32
    %mul3A_17 = arith.constant 640 : i32
    %mul3A_18 = arith.muli %arg1, %mul3A_17 : i32
    "tpu.region"() ({
      %run_scoped3A = tpu.sem_alloc : memref<!tpu.dma_semaphore, #tpu.memory_space<semaphore_mem>>
      %dma_start3A = arith.constant 0 : i32
      %dma_start3A_19 = tpu.memref_slice %arg4[%arg0, %mul3A_18, %dma_start3A] : memref<2x10240x16xf32, #tpu.memory_space<hbm>> -> memref<1x640x16xf32, #tpu.memory_space<hbm>>
      %dma_start3A_20 = tpu.memref_squeeze %dma_start3A_19 : memref<1x640x16xf32, #tpu.memory_space<hbm>> -> memref<640x16xf32, #tpu.memory_space<hbm>>
      %dma_start3A_21 = arith.constant 0 : i32
      %dma_start3A_22 = tpu.memref_slice %arg7[%mul3A_16, %dma_start3A_21] : memref<10240x16xf32, #tpu.memory_space<vmem_shared>> -> memref<640x16xf32, #tpu.memory_space<vmem_shared>>
      tpu.enqueue_dma source(%dma_start3A_22 : memref<640x16xf32, #tpu.memory_space<vmem_shared>>) target(%dma_start3A_20 : memref<640x16xf32, #tpu.memory_space<hbm>>) target_semaphore(%run_scoped3A : memref<!tpu.dma_semaphore, #tpu.memory_space<semaphore_mem>>)
      %dma_wait3A = arith.constant 0 : i32
      %dma_wait3A_23 = tpu.memref_slice %arg4[%arg0, %mul3A_18, %dma_wait3A] : memref<2x10240x16xf32, #tpu.memory_space<hbm>> -> memref<1x640x16xf32, #tpu.memory_space<hbm>>
      %dma_wait3A_24 = tpu.memref_squeeze %dma_wait3A_23 : memref<1x640x16xf32, #tpu.memory_space<hbm>> -> memref<640x16xf32, #tpu.memory_space<hbm>>
      %dma_wait3A_25 = arith.constant 0 : i32
      %dma_wait3A_26 = tpu.memref_slice %arg7[%mul3A_16, %dma_wait3A_25] : memref<10240x16xf32, #tpu.memory_space<vmem_shared>> -> memref<640x16xf32, #tpu.memory_space<vmem_shared>>
      tpu.wait_dma2 semaphore(%run_scoped3A : memref<!tpu.dma_semaphore, #tpu.memory_space<semaphore_mem>>) src(%dma_wait3A_26 : memref<640x16xf32, #tpu.memory_space<vmem_shared>>) dst(%dma_wait3A_24 : memref<640x16xf32, #tpu.memory_space<hbm>>)
      tpu.yield
    }) : () -> ()
    return
  }
}

module attributes {stable_mosaic.version = 14 : i64} {
  func.func @body(%arg0: i32, %arg1: memref<2048x128xf32, #tpu.memory_space<vmem>>, %arg2: memref<128x128xf32, #tpu.memory_space<vmem>>, %arg3: memref<2x2048x16xf32, #tpu.memory_space<vmem>>, %arg4: memref<2048x128xf32, #tpu.memory_space<vmem>>) attributes {dimension_semantics = [#tpu.dimension_semantics<arbitrary>], iteration_bounds = array<i64: 5>, scalar_prefetch = 0 : i64, scratch_operands = 0 : i64, tpu.core_type = #tpu.core_type<tc>, window_params = [{transform_indices = @transform_0, window_bounds = array<i64: 2048, 128>}, {pipeline_mode = #tpu.pipeline_mode<synchronous>, transform_indices = @transform_1, window_bounds = array<i64: 128, 128>}, {transform_indices = @transform_2, window_bounds = array<i64: 2, 2048, 16>}, {transform_indices = @transform_3, window_bounds = array<i64: 2048, 128>}]} {
    %get3A = arith.constant 0 : index
    %get3A_0 = arith.constant 0 : index
    %get3A_1 = arith.constant 0 : index
    %get3A_2 = vector.load %arg3[%get3A, %get3A_0, %get3A_1] : memref<2x2048x16xf32, #tpu.memory_space<vmem>>, vector<2x2048x16xf32>
    %slice3A = vector.extract_strided_slice %get3A_2 {offsets = [0, 0, 0], sizes = [1, 2048, 1], strides = [1, 1, 1]} : vector<2x2048x16xf32> to vector<1x2048x1xf32>
    %squeeze3A = vector.shape_cast %slice3A : vector<1x2048x1xf32> to vector<2048x1xf32>
    %slice3A_3 = vector.extract_strided_slice %get3A_2 {offsets = [1, 0, 0], sizes = [1, 2048, 1], strides = [1, 1, 1]} : vector<2x2048x16xf32> to vector<1x2048x1xf32>
    %squeeze3A_4 = vector.shape_cast %slice3A_3 : vector<1x2048x1xf32> to vector<2048x1xf32>
    %add3A = arith.addf %squeeze3A, %squeeze3A_4 : vector<2048x1xf32>
    %add3A_5 = arith.constant 1.000000e+00 : f32
    %add3A_6 = vector.broadcast %add3A_5 : f32 to vector<2048x1xf32>
    %add3A_7 = arith.addf %add3A, %add3A_6 : vector<2048x1xf32>
    %rsqrt3A = math.rsqrt %add3A_7 : vector<2048x1xf32>
    %get3A_8 = arith.constant 0 : index
    %get3A_9 = arith.constant 0 : index
    %get3A_10 = vector.load %arg1[%get3A_8, %get3A_9] : memref<2048x128xf32, #tpu.memory_space<vmem>>, vector<2048x128xf32>
    %get3A_11 = arith.constant 0 : index
    %get3A_12 = arith.constant 0 : index
    %get3A_13 = vector.load %arg2[%get3A_11, %get3A_12] : memref<128x128xf32, #tpu.memory_space<vmem>>, vector<128x128xf32>
    %dot_general3A = arith.constant dense<0.000000e+00> : vector<2048x128xf32>
    %dot_general3A_14 = tpu.matmul %get3A_10, %get3A_13, %dot_general3A {dimension_numbers = #tpu.dot_dimension_numbers<[1], [0], [0], [1], [0, 0, 1, 1], [], []>, transpose_lhs_hint = false} : vector<2048x128xf32>, vector<128x128xf32>, vector<2048x128xf32> -> vector<2048x128xf32>
    %mul3A = vector.broadcast %rsqrt3A : vector<2048x1xf32> to vector<2048x128xf32>
    %mul3A_15 = arith.mulf %dot_general3A_14, %mul3A : vector<2048x128xf32>
    %swap3A = arith.constant 0 : index
    %swap3A_16 = arith.constant 0 : index
    %swap3A_17 = vector.load %arg4[%swap3A, %swap3A_16] : memref<2048x128xf32, #tpu.memory_space<vmem>>, vector<2048x128xf32>
    tpu.vector_store %arg4[%swap3A, %swap3A_16], %mul3A_15 {strides = array<i32>} : memref<2048x128xf32, #tpu.memory_space<vmem>>, vector<2048x128xf32>,
    return
  }
  func.func @transform_0(%arg0: i32) -> (i32, i32) {
    %c0_i32 = arith.constant 0 : i32
    %c0_i32_0 = arith.constant 0 : i32
    return %arg0, %c0_i32 : i32, i32
  }
  func.func @transform_1(%arg0: i32) -> (i32, i32) {
    %c0_i32 = arith.constant 0 : i32
    %c0_i32_0 = arith.constant 0 : i32
    %c0_i32_1 = arith.constant 0 : i32
    return %c0_i32, %c0_i32_0 : i32, i32
  }
  func.func @transform_2(%arg0: i32) -> (i32, i32, i32) {
    %c0_i32 = arith.constant 0 : i32
    %c0_i32_0 = arith.constant 0 : i32
    %c0_i32_1 = arith.constant 0 : i32
    return %c0_i32, %arg0, %c0_i32_0 : i32, i32, i32
  }
  func.func @transform_3(%arg0: i32) -> (i32, i32) {
    %c0_i32 = arith.constant 0 : i32
    %c0_i32_0 = arith.constant 0 : i32
    return %arg0, %c0_i32 : i32, i32
  }
}

module attributes {stable_mosaic.version = 14 : i64} {
  func.func @body(%arg0: i32, %arg1: memref<2x2048x128xf32, #tpu.memory_space<vmem>>, %arg2: memref<2048x128xf32, #tpu.memory_space<vmem>>, %arg3: memref<2x2048x16xf32, #tpu.memory_space<vmem>>, %arg4: memref<1x128xf32, #tpu.memory_space<vmem>>, %arg5: memref<128x128xf32, #tpu.memory_space<vmem>>, %arg6: memref<1x128xf32, #tpu.memory_space<vmem>>, %arg7: memref<2048x128xf32, #tpu.memory_space<vmem>>) attributes {dimension_semantics = [#tpu.dimension_semantics<arbitrary>], iteration_bounds = array<i64: 5>, scalar_prefetch = 0 : i64, scratch_operands = 0 : i64, tpu.core_type = #tpu.core_type<tc>, window_params = [{transform_indices = @transform_0, window_bounds = array<i64: 2, 2048, 128>}, {transform_indices = @transform_1, window_bounds = array<i64: 2048, 128>}, {transform_indices = @transform_2, window_bounds = array<i64: 2, 2048, 16>}, {pipeline_mode = #tpu.pipeline_mode<synchronous>, transform_indices = @transform_3, window_bounds = array<i64: 1, 128>}, {pipeline_mode = #tpu.pipeline_mode<synchronous>, transform_indices = @transform_4, window_bounds = array<i64: 128, 128>}, {pipeline_mode = #tpu.pipeline_mode<synchronous>, transform_indices = @transform_5, window_bounds = array<i64: 1, 128>}, {transform_indices = @transform_6, window_bounds = array<i64: 2048, 128>}]} {
    %get3A = arith.constant 0 : index
    %get3A_0 = arith.constant 0 : index
    %get3A_1 = arith.constant 0 : index
    %get3A_2 = vector.load %arg3[%get3A, %get3A_0, %get3A_1] : memref<2x2048x16xf32, #tpu.memory_space<vmem>>, vector<2x2048x16xf32>
    %slice3A = vector.extract_strided_slice %get3A_2 {offsets = [0, 0, 0], sizes = [1, 2048, 1], strides = [1, 1, 1]} : vector<2x2048x16xf32> to vector<1x2048x1xf32>
    %squeeze3A = vector.shape_cast %slice3A : vector<1x2048x1xf32> to vector<2048x1xf32>
    %slice3A_3 = vector.extract_strided_slice %get3A_2 {offsets = [1, 0, 0], sizes = [1, 2048, 1], strides = [1, 1, 1]} : vector<2x2048x16xf32> to vector<1x2048x1xf32>
    %squeeze3A_4 = vector.shape_cast %slice3A_3 : vector<1x2048x1xf32> to vector<2048x1xf32>
    %add3A = arith.addf %squeeze3A, %squeeze3A_4 : vector<2048x1xf32>
    %add3A_5 = arith.constant 1.000000e+00 : f32
    %add3A_6 = vector.broadcast %add3A_5 : f32 to vector<2048x1xf32>
    %add3A_7 = arith.addf %add3A, %add3A_6 : vector<2048x1xf32>
    %rsqrt3A = math.rsqrt %add3A_7 : vector<2048x1xf32>
    %get3A_8 = arith.constant 0 : index
    %get3A_9 = arith.constant 0 : index
    %get3A_10 = arith.constant 0 : index
    %get3A_11 = vector.load %arg1[%get3A_8, %get3A_9, %get3A_10] : memref<2x2048x128xf32, #tpu.memory_space<vmem>>, vector<1x2048x128xf32>
    %get3A_12 = vector.shape_cast %get3A_11 : vector<1x2048x128xf32> to vector<2048x128xf32>
    %get3A_13 = arith.constant 1 : index
    %get3A_14 = arith.constant 0 : index
    %get3A_15 = arith.constant 0 : index
    %get3A_16 = vector.load %arg1[%get3A_13, %get3A_14, %get3A_15] : memref<2x2048x128xf32, #tpu.memory_space<vmem>>, vector<1x2048x128xf32>
    %get3A_17 = vector.shape_cast %get3A_16 : vector<1x2048x128xf32> to vector<2048x128xf32>
    %add3A_18 = arith.addf %get3A_12, %get3A_17 : vector<2048x128xf32>
    %get3A_19 = arith.constant 0 : index
    %get3A_20 = arith.constant 0 : index
    %get3A_21 = vector.load %arg2[%get3A_19, %get3A_20] : memref<2048x128xf32, #tpu.memory_space<vmem>>, vector<2048x128xf32>
    %add3A_22 = arith.addf %add3A_18, %get3A_21 : vector<2048x128xf32>
    %mul3A = vector.broadcast %rsqrt3A : vector<2048x1xf32> to vector<2048x128xf32>
    %mul3A_23 = arith.mulf %add3A_22, %mul3A : vector<2048x128xf32>
    %get3A_24 = arith.constant 0 : index
    %get3A_25 = arith.constant 0 : index
    %get3A_26 = vector.load %arg4[%get3A_24, %get3A_25] : memref<1x128xf32, #tpu.memory_space<vmem>>, vector<1x128xf32>
    %add3A_27 = vector.broadcast %get3A_26 : vector<1x128xf32> to vector<2048x128xf32>
    %add3A_28 = arith.addf %mul3A_23, %add3A_27 : vector<2048x128xf32>
    %max3A = arith.constant 0.000000e+00 : f32
    %max3A_29 = vector.broadcast %max3A : f32 to vector<2048x128xf32>
    %max3A_30 = arith.maximumf %add3A_28, %max3A_29 : vector<2048x128xf32>
    %get3A_31 = arith.constant 0 : index
    %get3A_32 = arith.constant 0 : index
    %get3A_33 = vector.load %arg5[%get3A_31, %get3A_32] : memref<128x128xf32, #tpu.memory_space<vmem>>, vector<128x128xf32>
    %dot_general3A = arith.constant dense<0.000000e+00> : vector<2048x128xf32>
    %dot_general3A_34 = tpu.matmul %max3A_30, %get3A_33, %dot_general3A {dimension_numbers = #tpu.dot_dimension_numbers<[1], [0], [0], [1], [0, 0, 1, 1], [], []>, transpose_lhs_hint = false} : vector<2048x128xf32>, vector<128x128xf32>, vector<2048x128xf32> -> vector<2048x128xf32>
    %mul3A_35 = vector.broadcast %rsqrt3A : vector<2048x1xf32> to vector<2048x128xf32>
    %mul3A_36 = arith.mulf %dot_general3A_34, %mul3A_35 : vector<2048x128xf32>
    %swap3A = arith.constant 0 : index
    %swap3A_37 = arith.constant 0 : index
    %swap3A_38 = vector.load %arg7[%swap3A, %swap3A_37] : memref<2048x128xf32, #tpu.memory_space<vmem>>, vector<2048x128xf32>
    tpu.vector_store %arg7[%swap3A, %swap3A_37], %mul3A_36 {strides = array<i32>} : memref<2048x128xf32, #tpu.memory_space<vmem>>, vector<2048x128xf32>,
    return
  }
  func.func @transform_0(%arg0: i32) -> (i32, i32, i32) {
    %c0_i32 = arith.constant 0 : i32
    %c0_i32_0 = arith.constant 0 : i32
    %c0_i32_1 = arith.constant 0 : i32
    return %c0_i32, %arg0, %c0_i32_0 : i32, i32, i32
  }
  func.func @transform_1(%arg0: i32) -> (i32, i32) {
    %c0_i32 = arith.constant 0 : i32
    %c0_i32_0 = arith.constant 0 : i32
    return %arg0, %c0_i32 : i32, i32
  }
  func.func @transform_2(%arg0: i32) -> (i32, i32, i32) {
    %c0_i32 = arith.constant 0 : i32
    %c0_i32_0 = arith.constant 0 : i32
    %c0_i32_1 = arith.constant 0 : i32
    return %c0_i32, %arg0, %c0_i32_0 : i32, i32, i32
  }
  func.func @transform_3(%arg0: i32) -> (i32, i32) {
    %c0_i32 = arith.constant 0 : i32
    %c0_i32_0 = arith.constant 0 : i32
    %c0_i32_1 = arith.constant 0 : i32
    return %c0_i32, %c0_i32_0 : i32, i32
  }
  func.func @transform_4(%arg0: i32) -> (i32, i32) {
    %c0_i32 = arith.constant 0 : i32
    %c0_i32_0 = arith.constant 0 : i32
    %c0_i32_1 = arith.constant 0 : i32
    return %c0_i32, %c0_i32_0 : i32, i32
  }
  func.func @transform_5(%arg0: i32) -> (i32, i32) {
    %c0_i32 = arith.constant 0 : i32
    %c0_i32_0 = arith.constant 0 : i32
    %c0_i32_1 = arith.constant 0 : i32
    return %c0_i32, %c0_i32_0 : i32, i32
  }
  func.func @transform_6(%arg0: i32) -> (i32, i32) {
    %c0_i32 = arith.constant 0 : i32
    %c0_i32_0 = arith.constant 0 : i32
    return %arg0, %c0_i32 : i32, i32
  }
}

module attributes {stable_mosaic.version = 14 : i64} {
  func.func @body(%arg0: i32, %arg1: memref<2x2048x128xf32, #tpu.memory_space<vmem>>, %arg2: memref<2048x128xf32, #tpu.memory_space<vmem>>, %arg3: memref<2x2048x16xf32, #tpu.memory_space<vmem>>, %arg4: memref<1x128xf32, #tpu.memory_space<vmem>>, %arg5: memref<128x128xf32, #tpu.memory_space<vmem>>, %arg6: memref<1x128xf32, #tpu.memory_space<vmem>>, %arg7: memref<2048x128xf32, #tpu.memory_space<vmem>>) attributes {dimension_semantics = [#tpu.dimension_semantics<arbitrary>], iteration_bounds = array<i64: 5>, scalar_prefetch = 0 : i64, scratch_operands = 0 : i64, tpu.core_type = #tpu.core_type<tc>, window_params = [{transform_indices = @transform_0, window_bounds = array<i64: 2, 2048, 128>}, {transform_indices = @transform_1, window_bounds = array<i64: 2048, 128>}, {transform_indices = @transform_2, window_bounds = array<i64: 2, 2048, 16>}, {pipeline_mode = #tpu.pipeline_mode<synchronous>, transform_indices = @transform_3, window_bounds = array<i64: 1, 128>}, {pipeline_mode = #tpu.pipeline_mode<synchronous>, transform_indices = @transform_4, window_bounds = array<i64: 128, 128>}, {pipeline_mode = #tpu.pipeline_mode<synchronous>, transform_indices = @transform_5, window_bounds = array<i64: 1, 128>}, {transform_indices = @transform_6, window_bounds = array<i64: 2048, 128>}]} {
    %get3A = arith.constant 0 : index
    %get3A_0 = arith.constant 0 : index
    %get3A_1 = arith.constant 0 : index
    %get3A_2 = vector.load %arg3[%get3A, %get3A_0, %get3A_1] : memref<2x2048x16xf32, #tpu.memory_space<vmem>>, vector<2x2048x16xf32>
    %slice3A = vector.extract_strided_slice %get3A_2 {offsets = [0, 0, 0], sizes = [1, 2048, 1], strides = [1, 1, 1]} : vector<2x2048x16xf32> to vector<1x2048x1xf32>
    %squeeze3A = vector.shape_cast %slice3A : vector<1x2048x1xf32> to vector<2048x1xf32>
    %slice3A_3 = vector.extract_strided_slice %get3A_2 {offsets = [1, 0, 0], sizes = [1, 2048, 1], strides = [1, 1, 1]} : vector<2x2048x16xf32> to vector<1x2048x1xf32>
    %squeeze3A_4 = vector.shape_cast %slice3A_3 : vector<1x2048x1xf32> to vector<2048x1xf32>
    %add3A = arith.addf %squeeze3A, %squeeze3A_4 : vector<2048x1xf32>
    %add3A_5 = arith.constant 1.000000e+00 : f32
    %add3A_6 = vector.broadcast %add3A_5 : f32 to vector<2048x1xf32>
    %add3A_7 = arith.addf %add3A, %add3A_6 : vector<2048x1xf32>
    %rsqrt3A = math.rsqrt %add3A_7 : vector<2048x1xf32>
    %get3A_8 = arith.constant 0 : index
    %get3A_9 = arith.constant 0 : index
    %get3A_10 = arith.constant 0 : index
    %get3A_11 = vector.load %arg1[%get3A_8, %get3A_9, %get3A_10] : memref<2x2048x128xf32, #tpu.memory_space<vmem>>, vector<1x2048x128xf32>
    %get3A_12 = vector.shape_cast %get3A_11 : vector<1x2048x128xf32> to vector<2048x128xf32>
    %get3A_13 = arith.constant 1 : index
    %get3A_14 = arith.constant 0 : index
    %get3A_15 = arith.constant 0 : index
    %get3A_16 = vector.load %arg1[%get3A_13, %get3A_14, %get3A_15] : memref<2x2048x128xf32, #tpu.memory_space<vmem>>, vector<1x2048x128xf32>
    %get3A_17 = vector.shape_cast %get3A_16 : vector<1x2048x128xf32> to vector<2048x128xf32>
    %add3A_18 = arith.addf %get3A_12, %get3A_17 : vector<2048x128xf32>
    %get3A_19 = arith.constant 0 : index
    %get3A_20 = arith.constant 0 : index
    %get3A_21 = vector.load %arg2[%get3A_19, %get3A_20] : memref<2048x128xf32, #tpu.memory_space<vmem>>, vector<2048x128xf32>
    %add3A_22 = arith.addf %add3A_18, %get3A_21 : vector<2048x128xf32>
    %mul3A = vector.broadcast %rsqrt3A : vector<2048x1xf32> to vector<2048x128xf32>
    %mul3A_23 = arith.mulf %add3A_22, %mul3A : vector<2048x128xf32>
    %get3A_24 = arith.constant 0 : index
    %get3A_25 = arith.constant 0 : index
    %get3A_26 = vector.load %arg4[%get3A_24, %get3A_25] : memref<1x128xf32, #tpu.memory_space<vmem>>, vector<1x128xf32>
    %add3A_27 = vector.broadcast %get3A_26 : vector<1x128xf32> to vector<2048x128xf32>
    %add3A_28 = arith.addf %mul3A_23, %add3A_27 : vector<2048x128xf32>
    %max3A = arith.constant 0.000000e+00 : f32
    %max3A_29 = vector.broadcast %max3A : f32 to vector<2048x128xf32>
    %max3A_30 = arith.maximumf %add3A_28, %max3A_29 : vector<2048x128xf32>
    %get3A_31 = arith.constant 0 : index
    %get3A_32 = arith.constant 0 : index
    %get3A_33 = vector.load %arg5[%get3A_31, %get3A_32] : memref<128x128xf32, #tpu.memory_space<vmem>>, vector<128x128xf32>
    %dot_general3A = arith.constant dense<0.000000e+00> : vector<2048x128xf32>
    %dot_general3A_34 = tpu.matmul %max3A_30, %get3A_33, %dot_general3A {dimension_numbers = #tpu.dot_dimension_numbers<[1], [0], [0], [1], [0, 0, 1, 1], [], []>, transpose_lhs_hint = false} : vector<2048x128xf32>, vector<128x128xf32>, vector<2048x128xf32> -> vector<2048x128xf32>
    %get3A_35 = arith.constant 0 : index
    %get3A_36 = arith.constant 0 : index
    %get3A_37 = vector.load %arg6[%get3A_35, %get3A_36] : memref<1x128xf32, #tpu.memory_space<vmem>>, vector<1x128xf32>
    %add3A_38 = vector.broadcast %get3A_37 : vector<1x128xf32> to vector<2048x128xf32>
    %add3A_39 = arith.addf %dot_general3A_34, %add3A_38 : vector<2048x128xf32>
    %swap3A = arith.constant 0 : index
    %swap3A_40 = arith.constant 0 : index
    %swap3A_41 = vector.load %arg7[%swap3A, %swap3A_40] : memref<2048x128xf32, #tpu.memory_space<vmem>>, vector<2048x128xf32>
    tpu.vector_store %arg7[%swap3A, %swap3A_40], %add3A_39 {strides = array<i32>} : memref<2048x128xf32, #tpu.memory_space<vmem>>, vector<2048x128xf32>,
    return
  }
  func.func @transform_0(%arg0: i32) -> (i32, i32, i32) {
    %c0_i32 = arith.constant 0 : i32
    %c0_i32_0 = arith.constant 0 : i32
    %c0_i32_1 = arith.constant 0 : i32
    return %c0_i32, %arg0, %c0_i32_0 : i32, i32, i32
  }
  func.func @transform_1(%arg0: i32) -> (i32, i32) {
    %c0_i32 = arith.constant 0 : i32
    %c0_i32_0 = arith.constant 0 : i32
    return %arg0, %c0_i32 : i32, i32
  }
  func.func @transform_2(%arg0: i32) -> (i32, i32, i32) {
    %c0_i32 = arith.constant 0 : i32
    %c0_i32_0 = arith.constant 0 : i32
    %c0_i32_1 = arith.constant 0 : i32
    return %c0_i32, %arg0, %c0_i32_0 : i32, i32, i32
  }
  func.func @transform_3(%arg0: i32) -> (i32, i32) {
    %c0_i32 = arith.constant 0 : i32
    %c0_i32_0 = arith.constant 0 : i32
    %c0_i32_1 = arith.constant 0 : i32
    return %c0_i32, %c0_i32_0 : i32, i32
  }
  func.func @transform_4(%arg0: i32) -> (i32, i32) {
    %c0_i32 = arith.constant 0 : i32
    %c0_i32_0 = arith.constant 0 : i32
    %c0_i32_1 = arith.constant 0 : i32
    return %c0_i32, %c0_i32_0 : i32, i32
  }
  func.func @transform_5(%arg0: i32) -> (i32, i32) {
    %c0_i32 = arith.constant 0 : i32
    %c0_i32_0 = arith.constant 0 : i32
    %c0_i32_1 = arith.constant 0 : i32
    return %c0_i32, %c0_i32_0 : i32, i32
  }
  func.func @transform_6(%arg0: i32) -> (i32, i32) {
    %c0_i32 = arith.constant 0 : i32
    %c0_i32_0 = arith.constant 0 : i32
    return %arg0, %c0_i32 : i32, i32
  }
}

</mosaic_0001>

<sc_bundles>
// kernel: kernel.11.cloned.1.call-start
scs
__scs_entry_jumppad:
0x0: {  	(pc) =	sbr.rel $0x88, $3  }
0x1: {  	(tag) =	ssettag $0x0;
	lr =	simm.s32 $0x1  }
0x2: {  	[smem:$0x3F99] =	sst lr;
	_ =	strace $0xD0000000  }
0x3: {  	_ = 	snop  }
0x4: {  	_ = 	snop  }
0x5: {  	_ = 	snop  }
0x6: {  	_ = 	snop  }
0x7: {  	_ = 	snop  }
__scs_overlays_trampoline_lowered:
0x8: {  	[smem:$0x3FA8] =	sst s0  }
0x9: {  	[smem:$0x3FA9] =	sst s1  }
0xa: {  	[smem:$0x3FAA] =	sst s2  }
0xb: {  	[smem:$0x3FAB] =	sst s3  }
0xc: {  	[smem:$0x3FAC] =	sst s4  }
0xd: {  	[smem:$0x3FAD] =	sst s5  }
0xe: {  	[smem:$0x3FAE] =	sst s6  }
0xf: {  	[smem:$0x3FAF] =	sst s7  }
0x10: {  	[smem:$0x3FB0] =	sst s8  }
0x11: {  	[smem:$0x3FB1] =	sst s9;
	s0 =	simm.s32 @!p0 $0x0  }
0x12: {  	s1 =	sld [smem:$0x3F97];
	s0 =	simm.s32 @p0 $0x1  }
0x13: {  	[smem:$0x3FB2] =	sst s0;
	s0 =	simm.s32 @!p1 $0x0  }
0x14: {  	s2 =	sld [smem:$0x3F96];
	s0 =	simm.s32 @p1 $0x1  }
0x15: {  	[smem:$0x3FB3] =	sst s0;
	s0 =	simm.s32 @!p2 $0x0  }
0x16: {  	s3 =	sld [smem:$0x3FDB];
	s0 =	simm.s32 @p2 $0x1  }
0x17: {  	s4 =	simm.s32 $0x1BF5;
	[smem:$0x3FB5] =	sst s0  }
0x18: {  	s0 =	sld [smem:$0x3F98];
	_ =	swait.ge [sflag:s4], $0x0  }
0x19: {  	s7 =	sld [smem:$0x3F99]  }
0x1a: {  	s8 =	sadd.s32 $0xFFFFE003, lr  }
0x1b: {  	s9 =	sadd.s32 $0xFFFFFEF7, lr;
	s5 =	simm.s32 $0xFFFFFFFF;
	p2 =	slt.u32 s8, $0xFFFFF086  }
0x1c: {  	p1 =	slt.u32 s9, $0xF7A;
	s5 =	simm.s32 @!p2 $0x0  }
0x1d: {  	s5 =	simm.s32 @p1 $0x1;
	p0 =	seq.s32 s7, s2  }
0x1e: {  	s7 =	smul.u32 @!p0 $0xF7A, s2;
	p2 =	seq.s32 @!p0 s5, $0x0  }
0x1f: {  	s9 =	smul.u32 $0xF7A, s1;
	s8 =	simm.s32 @!p0 $0x1BF5;
	p2 =	por !p2, p0  }
0x20: {  	[sflag:s8] =	ssyncset.s32 @!p0 $0xFFFFF086;
	s6 =	sadd.s32 @!p0 s3, s7;
	s7 =	simm.s32 @!p0 $0x108  }
0x21: {  	s3 =	sadd.s32 s3, s9;
	s6 =	sadd.s32 @!p0 $0x88, s6;
	s7 =	simm.s32 @p2 $0x1082  }
0x22: {  	[simem:s7], [sflag:s8] =	dma.local @!p0 [hbm:s6], $0xF7A  }
0x23: {  	s9 =	sor.u32 $0xD0000000, s2;
	s6 =	simm.s32 $0x108;
	_ =	swait.ge @!p0 [sflag:s8], $0x0  }
0x24: {  	s3 =	sadd.s32 $0x88, s3;
	s6 =	simm.s32 @!p1 $0x1082;
	[sflag:s4] =	ssyncset.s32 $0xFFFFF086  }
0x25: {  	[simem:s6], [sflag:s4] =	dma.local [hbm:s3], $0xF7A  }
0x26: {  	[smem:$0x3F99] =	sst s1;
	(tag) =	ssettag s2;
	_ =	strace s9  }
0x27: {  	s1 =	sld [smem:$0x3FA9]  }
0x28: {  	s2 =	sld [smem:$0x3FAA]  }
0x29: {  	s4 =	sld [smem:$0x3FAC]  }
0x2a: {  	p0 =	seq.s32 s5, $0x0;
	s5 =	sld [smem:$0x3FAD]  }
0x2b: {  	s6 =	sld [smem:$0x3FAE]  }
0x2c: {  	s7 =	sld [smem:$0x3FAF]  }
0x2d: {  	s3 =	simm.s32 $0x108;
	s8 =	sld [smem:$0x3FB0]  }
0x2e: {  	s3 =	simm.s32 @!p0 $0x1082;
	s9 =	sld [smem:$0x3FB1]  }
0x2f: {  	lr =	sadd.s32 s0, s3;
	s0 =	sld [smem:$0x3FA8]  }
0x30: {  	s3 =	sld [smem:$0x3FAB]  }
0x31: {  	[smem:$0x3FB4] =	sst s10  }
0x32: {  	s10 =	sld [smem:$0x3FB2];
	_ =	sdelay $0x3  }
0x33: {  	p0 =	seq.s32 s10, $0x1;
	s10 =	sld [smem:$0x3FB4];
	_ =	sdelay $0x3  }
0x34: {  	[smem:$0x3FB4] =	sst s10  }
0x35: {  	s10 =	sld [smem:$0x3FB3];
	_ =	sdelay $0x3  }
0x36: {  	p1 =	seq.s32 s10, $0x1;
	s10 =	sld [smem:$0x3FB4];
	_ =	sdelay $0x3  }
0x37: {  	[smem:$0x3FB4] =	sst s10  }
0x38: {  	s10 =	sld [smem:$0x3FB5]  }
0x39: {  	_ = 	snop;
	(pc) =	sbr.ind lr, $3  }
0x3a: {  	_ = 	snop  }
0x3b: {  	_ = 	snop  }
0x3c: {  	p2 =	seq.s32 s10, $0x1;
	s10 =	sld [smem:$0x3FB4]  }
0x3d: {  	_ =	shalt  }
0x3e: {  	_ =	shalt  }
0x3f: {  	_ =	shalt  }
0x40: {  	_ =	shalt  }
0x41: {  	_ =	shalt  }
0x42: {  	_ =	shalt  }
0x43: {  	_ =	shalt  }
0x44: {  	_ =	shalt  }
0x45: {  	_ =	shalt  }
0x46: {  	_ =	shalt  }
0x47: {  	_ =	shalt  }
0x48: {  	_ =	shalt  }
0x49: {  	_ =	shalt  }
0x4a: {  	_ =	shalt  }
0x4b: {  	_ =	shalt  }
0x4c: {  	_ =	shalt  }
0x4d: {  	_ =	shalt  }
0x4e: {  	_ =	shalt  }
0x4f: {  	_ =	shalt  }
0x50: {  	_ =	shalt  }
0x51: {  	_ =	shalt  }
0x52: {  	_ =	shalt  }
0x53: {  	_ =	shalt  }
0x54: {  	_ =	shalt  }
0x55: {  	_ =	shalt  }
0x56: {  	_ =	shalt  }
0x57: {  	_ =	shalt  }
0x58: {  	_ =	shalt  }
0x59: {  	_ =	shalt  }
0x5a: {  	_ =	shalt  }
0x5b: {  	_ =	shalt  }
0x5c: {  	_ =	shalt  }
0x5d: {  	_ =	shalt  }
0x5e: {  	_ =	shalt  }
0x5f: {  	_ =	shalt  }
0x60: {  	_ =	shalt  }
0x61: {  	_ =	shalt  }
0x62: {  	_ =	shalt  }
0x63: {  	_ =	shalt  }
0x64: {  	_ =	shalt  }
0x65: {  	_ =	shalt  }
0x66: {  	_ =	shalt  }
0x67: {  	_ =	shalt  }
0x68: {  	_ =	shalt  }
0x69: {  	_ =	shalt  }
0x6a: {  	_ =	shalt  }
0x6b: {  	_ =	shalt  }
0x6c: {  	_ =	shalt  }
0x6d: {  	_ =	shalt  }
0x6e: {  	_ =	shalt  }
0x6f: {  	_ =	shalt  }
0x70: {  	_ =	shalt  }
0x71: {  	_ =	shalt  }
0x72: {  	_ =	shalt  }
0x73: {  	_ =	shalt  }
0x74: {  	_ =	shalt  }
0x75: {  	_ =	shalt  }
0x76: {  	_ =	shalt  }
0x77: {  	_ =	shalt  }
0x78: {  	_ =	shalt  }
0x79: {  	_ =	shalt  }
0x7a: {  	_ =	shalt  }
0x7b: {  	_ =	shalt  }
0x7c: {  	_ =	shalt  }
0x7d: {  	_ =	shalt  }
0x7e: {  	_ =	shalt  }
0x7f: {  	_ =	shalt  }
0x80: {  	_ =	shalt  }
0x81: {  	_ =	shalt  }
0x82: {  	_ =	shalt  }
0x83: {  	_ =	shalt  }
0x84: {  	_ =	shalt  }
0x85: {  	_ =	shalt  }
0x86: {  	_ =	shalt  }
0x87: {  	_ =	shalt  }
.Lfunc_end0:
.L_simem_size_0:
called_computation.1_lowered:
.L_overlay_start_0:
0x88: {  	s2 =	sld [smem:$0x3FD9]  }
0x89: {  	s3 =	sld [smem:$0x3FFE];
	_ =	sdelay $0x1  }
0x8a: {  	s1 =	srdreg.scid  }
0x8b: {  	s0 =	sand.u32 $0x1, s1  }
0x8c: {  	s17 =	sshll.u32 s0, $0xA;
	s2 =	sadd.s32 s3, s2  }
0x8d: {  	s2 =	sadd.s32 s2, s17  }
0x8e: {  	[smem:$0x3FC0] =	sst s2  }
0x8f: {  	_ = 	snop  }
0x90: {  	s2 =	sld [smem:$0x3FD0];
	(tm) =	ssettm $0x1  }
0x91: {  	s18 =	sld [smem:$0x3FFB];
	_ =	sdelay $0x3  }
0x92: {  	_ =	strace s18  }
0x93: {  	s3 =	sld [smem:$0x3FFC];
	_ =	sdelay $0x3  }
0x94: {  	_ =	strace s3  }
0x95: {  	s3 =	sld [smem:$0x3FFD];
	_ =	sdelay $0x3  }
0x96: {  	_ =	strace s3  }
0x97: {  	_ =	strace $0x8FFFFFFF  }
0x98: {  	s19 =	sld [smem:$0x3FDB];
	_ =	sdelay $0x1  }
0x99: {  	s4 =	simm.s32 $_scs_section_size  }
0x9a: {  	s5 =	simm.s32 $_size__tile_overlayer_lowered;
	s6 =	simm.s32 $_tile_overlayer_lowered  }
0x9b: {  	s22 =	simm.s32 $0x1BFF;
	s21 =	sshll.u32 s6, $0x1;
	s3 =	sadd.s32 s4, s19  }
0x9c: {  	s7 =	simm.s32 $0x0;
	s20 =	sshll.u32 s5, $0x1;
	s5 =	sadd.s32 s21, s3  }
0x9d: {  	[timem:s7], [sflag:s22] =	dma.local [hbm:s5], s20  }
0x9e: {  	_ =	swait.ge [sflag:s22], s20  }
0x9f: {  	s4 =	ssub.s32 $0x0, s20;
	[sflag:s22] =	ssyncset.done $0x0  }
0xa0: {  	[sflag:s22] =	ssyncadd.s32 s4;
	_ =	sdelay $0x1  }
0xa1: {  	s23 =	simm.s32 $0x1B8B  }
0xa2: {  	_ =	swait.ge [sflag:s23], $0x1  }
0xa3: {  	[sflag:s23] =	ssyncset.done $0x0  }
0xa4: {  	s25 =	simm.s32 $0x1B8E;
	s24 =	sld [smem:$0x3FFE];
	[sflag:s23] =	ssyncadd.s32 $0xFFFFFFFF  }
0xa5: {  	s26 =	simm.s32 $execute0_lowered;
	[smem:$0x3FD2] =	sst s25  }
0xa6: {  	s5 =	sshll.u32 s26, $0x1;
	_ =	strace $0x80000049;
	[dreg:$0x1] =	wrdreg $0xFFFFFFFF  }
0xa7: {  	s28 =	simm.s32 $_size_execute0_lowered;
	s3 =	sadd.s32 s3, s5;
	[dreg:$0x0] =	wrdreg $0x0  }
0xa8: {  	s5 =	sshll.u32 s28, $0x1;
	[dreg:$0x2] =	wrdreg s3  }
0xa9: {  	[dreg:$0x3] =	wrdreg s5  }
0xaa: {  	[dreg:$0x4] =	wrdreg $0xC0  }
0xab: {  	_ =	task [dreg:s7], $0x5FFFF  }
0xac: {  	[dreg:$0x1] =	wrdreg $0xFFFFFFFF  }
0xad: {  	[dreg:$0x0] =	wrdreg $0x60  }
0xae: {  	[dreg:$0x2] =	wrdreg s24  }
0xaf: {  	[dreg:$0x3] =	wrdreg s2  }
0xb0: {  	[dreg:$0x4] =	wrdreg $0xA8000  }
0xb1: {  	[dreg:$0x5] =	wrdreg $0x9  }
0xb2: {  	_ =	task.clear_ibuf [dreg:s7], $0x6FFFF;
	_ =	strace $0x90000049  }
0xb3: {  	s29 =	simm.s32 $0x9;
	_ =	strace $0x8000004B  }
0xb4: {  	_ =	swait.ge [sflag:s29], $0x1  }
0xb5: {  	[sflag:s29] =	ssyncadd.s32 $0xFFFFFFFF  }
0xb6: {  	_ =	strace $0x9000004B  }
0xb7: {  	_ =	sfence  }
0xb8: {  	s30 =	sld [smem:$0x0];
	_ =	sdelay $0x2  }
0xb9: {  	s31 =	sshll.u32 s1, $0xD;
	s1 =	sshrl.u32 s1, $0x2  }
0xba: {  	s3 =	sand.u32 $0x4000, s31;
	s1 =	sadd.s32 s1, s30  }
0xbb: {  	s0 =	sor.u32 s3, s0;
	s1 =	sshll.u32 s1, $0x11  }
0xbc: {  	s0 =	sor.u32 s1, s0  }
0xbd: {  	s0 =	sadd.s32 $0x8F2B, s0  }
0xbe: {  	[sflag:s0] =	ssyncadd.remote.s32 $0x1  }
0xbf: {  	_ =	sfence.sel $0xFFFF  }
0xc0: {  	[dreg:$0x0] =	wrdreg $0xFFFFFFFF;
	(pc) =	sbr.abs _section_cstart, $3  }
0xc1: {  	[dreg:$0x1] =	wrdreg $0xFFFFFFFF  }
0xc2: {  	_ =	task.clear_ibuf [dreg:s7], $0x2FFFF;
	_ =	strace $0x9FFFFFFF  }
0xc3: {  	(tm) =	ssettm $0x7FFFFFFF  }
tec
execute0_lowered:
.L_overlay_start_1:
0x0: {  	(tag) =	ssettag $0x1  }
0x1: {  	s5 =	rddreg [dreg:$0x0]  }
0x2: {  	s9 =	rddreg [dreg:$0x1]  }
0x3: {  	s2 =	rddreg [dreg:$0x2]  }
0x4: {  	s0 =	rddreg [dreg:$0x3];
	s3 =	simm.s32 $0x0;
	s1 =	stileid.u32  }
0x5: {  	s4 =	srdreg.scid;
	s15 =	simm.s32 $0x1400;
	s16 =	simm.s32 $0x80  }
0x6: {  	s17 =	simm.s32 $0x2800;
	s18 =	simm.s32 $0x6800;
	s19 =	simm.s32 $0x1  }
0x7: {  	s20 =	simm.s32 $0x2;
	s21 =	simm.s32 $0x0;
	[smem:$0x7FF] =	sst s3  }
0x8: {  	s6 =	smul.u32 $0x14000, s1;
	s7 =	sand.u32 $0x1, s4;
	s4 =	sadd.s32 $0xD000, s5  }
0x9: {  	s10 =	sadd.s32 $0x3000, s5;
	s25 =	sshll.u32 s1, $0x1;
	s13 =	smul.u32 $0x50000, s1  }
0xa: {  	s29 =	sshll.u32 s1, $0x6;
	_ =	strace $0x8000004A;
	s8 =	smul.u32 $0x140000, s7  }
0xb: {  	s12 =	ssub.s32 $0x2, s7;
	s7 =	sor.u32 s7, s25;
	s11 =	sshrl.u32 s6, $0x3  }
0xc: {  	s26 =	sshrl.u32 s12, $0x1;
	s7 =	smul.u32 $0x2800, s7;
	s28 =	sshrl.u32 s13, $0x2  }
0xd: {  	s11 =	sadd.s32 s11, s5;
	s6 =	sadd.s32 s6, s8;
	s12 =	ssub.s32 s12, s26  }
0xe: {  	s13 =	sadd.s32 s28, s2;
	s6 =	sshrl.u32 s6, $0x3;
	s30 =	sshrl.u32 s7, $0x3  }
0xf: {  	s12 =	smax.u32 s12, $0x1;
	s13 =	sshrl.u32 s13, $0x3;
	s14 =	sadd.s32 s6, s5  }
0x10: {  	s5 =	sadd.s32 $0x85000, s11;
	s6 =	sor.u32 $0x1C03, s29;
	s31 =	sadd.s32 $0x280, s30  }
0x11: {  	s7 =	sadd.s32 s9, s30;
	s8 =	sadd.s32 s10, s30;
	s9 =	sadd.s32 s9, s31  }
0x12: {  	s10 =	sadd.s32 s10, s31;
	s11 =	sadd.s32 $0xAD000, s14;
	s14 =	simm.s32 $0x3  }
.LBB2_1:
0x13: {  	[spmem:s13], [sflag:s6] =	dma.local [hbm:s5], $0x2800  }
0x14: {  	_ =	swait.ge [sflag:s14], $0x2800  }
0x15: {  	[sflag:s14] =	ssyncset.done $0x0  }
0x16: {  	[sflag:s14] =	ssyncadd.s32 $0xFFFFD800  }
0x17: {  	[bflag:$0x0] =	sbarrier.arrive $0xFFFF  }
0x18: {  	[tilespmem:s3], [sflag:$0x3] =	stream.linear.gather [hbm4b:s7+s3], $0x1400, $0x38;
	[tilespmem:$0x1E800] =	vst v63  }
0x19: {  	_ =	swait.ge [sflag:s14], $0x1400  }
0x1a: {  	[sflag:s14] =	ssyncset.done $0x0  }
0x1b: {  	[sflag:s14] =	ssyncadd.s32 $0xFFFFEC00  }
0x1c: {  	[tilespmem:s15], [sflag:$0x3] =	stream.linear.gather [hbm4b:s8+s3], $0x1400, $0x38;
	[tilespmem:$0x1E800] =	vst v63  }
0x1d: {  	_ =	swait.ge [sflag:s14], $0x1400  }
0x1e: {  	[sflag:s14] =	ssyncset.done $0x0  }
0x1f: {  	s22 =	simm.s32 $0x0;
	[sflag:s14] =	ssyncadd.s32 $0xFFFFEC00  }
0x20: {  	[tilespmem:s17], [sflag:$0x1] =	stream.indirect.gather [hbm4b:s4+s16], $0x80, s22, s16, $0xb8;
	[tilespmem:$0x1E800] =	vst v63  }
0x21: {  	s29 =	simm.s32 $0x80  }
0x22: {  	[tilespmem:s18], [sflag:$0x2] =	stream.indirect.gather [hbm4b:s4+s16], $0x80, s29, s16, $0xb8;
	[tilespmem:$0x1E800] =	vst v63  }
0x23: {  	_ =	swait.ge [sflag:s19], $0x4000  }
0x24: {  	[sflag:s19] =	ssyncset.done $0x0  }
0x25: {  	[sflag:s19] =	ssyncadd.s32 $0xFFFFC000  }
0x26: {  	_ =	swait.ge [sflag:s20], $0x4000  }
0x27: {  	[sflag:s20] =	ssyncset.done $0x0  }
0x28: {  	s30 =	simm.s32 $0x1400;
	[sflag:s20] =	ssyncadd.s32 $0xFFFFC000  }
0x29: {  	[spmem:s2] =	stream.indirect.scatter.add.f32 [tilespmem:s17], [sflag:$0x3], $0x80, s30, s16, $0xb8;
	[tilespmem:$0x1E800] =	vst v63  }
0x2a: {  	_ =	swait.ge [sflag:s14], $0x4000  }
0x2b: {  	[sflag:s14] =	ssyncset.done $0x0  }
0x2c: {  	s31 =	simm.s32 $0x1480;
	[sflag:s14] =	ssyncadd.s32 $0xFFFFC000  }
0x2d: {  	[spmem:s2] =	stream.indirect.scatter.add.f32 [tilespmem:s18], [sflag:$0x3], $0x80, s31, s16, $0xb8;
	[tilespmem:$0x1E800] =	vst v63  }
0x2e: {  	_ =	swait.ge [sflag:s14], $0x4000  }
0x2f: {  	s23 =	simm.s32 $0x800;
	s22 =	simm.s32 $0x400;
	[sflag:s14] =	ssyncset.done $0x0  }
.LBB2_2:
0x30: {  	s24 =	sshra.s32 s22, $0x2  }
0x31: {  	[sflag:s14] =	ssyncadd.s32 $0xFFFFC000;
	s22 =	smov.u32 s23;
	s25 =	sadd.s32 $0x400, s23  }
0x32: {  	[tilespmem:s17], [sflag:$0x1] =	stream.indirect.gather [hbm4b:s4+s16], $0x80, s24, s16, $0xb8;
	[tilespmem:$0x1E800] =	vst v63  }
0x33: {  	p0 =	sne.s32 s23, $0x4C00;
	s23 =	sadd.s32 $0x80, s24  }
0x34: {  	[tilespmem:s18], [sflag:$0x2] =	stream.indirect.gather [hbm4b:s4+s16], $0x80, s23, s16, $0xb8;
	[tilespmem:$0x1E800] =	vst v63  }
0x35: {  	_ =	swait.ge [sflag:s19], $0x4000  }
0x36: {  	[sflag:s19] =	ssyncset.done $0x0  }
0x37: {  	[sflag:s19] =	ssyncadd.s32 $0xFFFFC000  }
0x38: {  	_ =	swait.ge [sflag:s20], $0x4000  }
0x39: {  	[sflag:s20] =	ssyncset.done $0x0  }
0x3a: {  	s23 =	sadd.s32 $0x1400, s24;
	[sflag:s20] =	ssyncadd.s32 $0xFFFFC000  }
0x3b: {  	[spmem:s2] =	stream.indirect.scatter.add.f32 [tilespmem:s17], [sflag:$0x3], $0x80, s23, s16, $0xb8;
	[tilespmem:$0x1E800] =	vst v63  }
0x3c: {  	_ =	swait.ge [sflag:s14], $0x4000  }
.Ltmp0:
0x3d: {  	[sflag:s14] =	ssyncset.done $0x0;
	(pc) =	sbr.rel @p0 .LBB2_2-.Ltmp0, $4  }
0x3e: {  	s23 =	sadd.s32 $0x1480, s24;
	[sflag:s14] =	ssyncadd.s32 $0xFFFFC000  }
0x3f: {  	[spmem:s2] =	stream.indirect.scatter.add.f32 [tilespmem:s18], [sflag:$0x3], $0x80, s23, s16, $0xb8;
	[tilespmem:$0x1E800] =	vst v63  }
0x40: {  	_ =	swait.ge [sflag:s14], $0x4000  }
0x41: {  	s23 =	smov.u32 s25;
	[sflag:s14] =	ssyncset.done $0x0  }
0x42: {  	s22 =	sshra.s32 s22, $0x2;
	[sflag:s14] =	ssyncadd.s32 $0xFFFFC000  }
0x43: {  	[tilespmem:s17], [sflag:$0x1] =	stream.indirect.gather [hbm4b:s4+s16], $0x80, s22, s16, $0xb8;
	[tilespmem:$0x1E800] =	vst v63  }
0x44: {  	s23 =	sadd.s32 $0x80, s22  }
0x45: {  	[tilespmem:s18], [sflag:$0x2] =	stream.indirect.gather [hbm4b:s4+s16], $0x80, s23, s16, $0xb8;
	[tilespmem:$0x1E800] =	vst v63  }
0x46: {  	_ =	swait.ge [sflag:s19], $0x4000  }
0x47: {  	[sflag:s19] =	ssyncset.done $0x0  }
0x48: {  	[sflag:s19] =	ssyncadd.s32 $0xFFFFC000  }
0x49: {  	_ =	swait.ge [sflag:s20], $0x4000  }
0x4a: {  	[sflag:s20] =	ssyncset.done $0x0  }
0x4b: {  	s25 =	sadd.s32 $0x1400, s22;
	[sflag:s20] =	ssyncadd.s32 $0xFFFFC000  }
0x4c: {  	[spmem:s2] =	stream.indirect.scatter.add.f32 [tilespmem:s17], [sflag:$0x3], $0x80, s25, s16, $0xb8;
	[tilespmem:$0x1E800] =	vst v63  }
0x4d: {  	_ =	swait.ge [sflag:s14], $0x4000  }
0x4e: {  	[sflag:s14] =	ssyncset.done $0x0  }
0x4f: {  	s22 =	sadd.s32 $0x1480, s22;
	[sflag:s14] =	ssyncadd.s32 $0xFFFFC000  }
0x50: {  	[spmem:s2] =	stream.indirect.scatter.add.f32 [tilespmem:s18], [sflag:$0x3], $0x80, s22, s16, $0xb8;
	[tilespmem:$0x1E800] =	vst v63  }
0x51: {  	_ =	swait.ge [sflag:s14], $0x4000  }
0x52: {  	[sflag:s14] =	ssyncset.done $0x0  }
0x53: {  	s26 =	simm.s32 $0x0;
	[sflag:s14] =	ssyncadd.s32 $0xFFFFC000  }
0x54: {  	[tilespmem:s26], [sflag:$0x3] =	stream.linear.gather [hbm4b:s9+s26], $0x1400, $0x38;
	[tilespmem:$0x1E800] =	vst v63  }
0x55: {  	_ =	swait.ge [sflag:s14], $0x1400  }
0x56: {  	[sflag:s14] =	ssyncset.done $0x0  }
0x57: {  	[sflag:s14] =	ssyncadd.s32 $0xFFFFEC00  }
0x58: {  	[tilespmem:s15], [sflag:$0x3] =	stream.linear.gather [hbm4b:s10+s26], $0x1400, $0x38;
	[tilespmem:$0x1E800] =	vst v63  }
0x59: {  	_ =	swait.ge [sflag:s14], $0x1400  }
0x5a: {  	[sflag:s14] =	ssyncset.done $0x0  }
0x5b: {  	s28 =	simm.s32 $0x0;
	[sflag:s14] =	ssyncadd.s32 $0xFFFFEC00  }
0x5c: {  	[tilespmem:s17], [sflag:$0x1] =	stream.indirect.gather [hbm4b:s4+s16], $0x80, s28, s16, $0xb8;
	[tilespmem:$0x1E800] =	vst v63  }
0x5d: {  	s29 =	simm.s32 $0x80  }
0x5e: {  	[tilespmem:s18], [sflag:$0x2] =	stream.indirect.gather [hbm4b:s4+s16], $0x80, s29, s16, $0xb8;
	[tilespmem:$0x1E800] =	vst v63  }
0x5f: {  	_ =	swait.ge [sflag:s19], $0x4000  }
0x60: {  	[sflag:s19] =	ssyncset.done $0x0  }
0x61: {  	[sflag:s19] =	ssyncadd.s32 $0xFFFFC000  }
0x62: {  	_ =	swait.ge [sflag:s20], $0x4000  }
0x63: {  	[sflag:s20] =	ssyncset.done $0x0  }
0x64: {  	s30 =	simm.s32 $0x1400;
	[sflag:s20] =	ssyncadd.s32 $0xFFFFC000  }
0x65: {  	[spmem:s2] =	stream.indirect.scatter.add.f32 [tilespmem:s17], [sflag:$0x3], $0x80, s30, s16, $0xb8;
	[tilespmem:$0x1E800] =	vst v63  }
0x66: {  	_ =	swait.ge [sflag:s14], $0x4000  }
0x67: {  	[sflag:s14] =	ssyncset.done $0x0  }
0x68: {  	s31 =	simm.s32 $0x1480;
	[sflag:s14] =	ssyncadd.s32 $0xFFFFC000  }
0x69: {  	[spmem:s2] =	stream.indirect.scatter.add.f32 [tilespmem:s18], [sflag:$0x3], $0x80, s31, s16, $0xb8;
	[tilespmem:$0x1E800] =	vst v63  }
0x6a: {  	_ =	swait.ge [sflag:s14], $0x4000  }
0x6b: {  	s23 =	simm.s32 $0x800;
	s22 =	simm.s32 $0x400;
	[sflag:s14] =	ssyncset.done $0x0  }
.LBB2_4:
0x6c: {  	s24 =	sshra.s32 s22, $0x2  }
0x6d: {  	[sflag:s14] =	ssyncadd.s32 $0xFFFFC000;
	s22 =	smov.u32 s23;
	s25 =	sadd.s32 $0x400, s23  }
0x6e: {  	[tilespmem:s17], [sflag:$0x1] =	stream.indirect.gather [hbm4b:s4+s16], $0x80, s24, s16, $0xb8;
	[tilespmem:$0x1E800] =	vst v63  }
0x6f: {  	p0 =	sne.s32 s23, $0x4C00;
	s23 =	sadd.s32 $0x80, s24  }
0x70: {  	[tilespmem:s18], [sflag:$0x2] =	stream.indirect.gather [hbm4b:s4+s16], $0x80, s23, s16, $0xb8;
	[tilespmem:$0x1E800] =	vst v63  }
0x71: {  	_ =	swait.ge [sflag:s19], $0x4000  }
0x72: {  	[sflag:s19] =	ssyncset.done $0x0  }
0x73: {  	[sflag:s19] =	ssyncadd.s32 $0xFFFFC000  }
0x74: {  	_ =	swait.ge [sflag:s20], $0x4000  }
0x75: {  	[sflag:s20] =	ssyncset.done $0x0  }
0x76: {  	s23 =	sadd.s32 $0x1400, s24;
	[sflag:s20] =	ssyncadd.s32 $0xFFFFC000  }
0x77: {  	[spmem:s2] =	stream.indirect.scatter.add.f32 [tilespmem:s17], [sflag:$0x3], $0x80, s23, s16, $0xb8;
	[tilespmem:$0x1E800] =	vst v63  }
0x78: {  	_ =	swait.ge [sflag:s14], $0x4000  }
.Ltmp1:
0x79: {  	[sflag:s14] =	ssyncset.done $0x0;
	(pc) =	sbr.rel @p0 .LBB2_4-.Ltmp1, $4  }
0x7a: {  	s23 =	sadd.s32 $0x1480, s24;
	[sflag:s14] =	ssyncadd.s32 $0xFFFFC000  }
0x7b: {  	[spmem:s2] =	stream.indirect.scatter.add.f32 [tilespmem:s18], [sflag:$0x3], $0x80, s23, s16, $0xb8;
	[tilespmem:$0x1E800] =	vst v63  }
0x7c: {  	_ =	swait.ge [sflag:s14], $0x4000  }
0x7d: {  	s23 =	smov.u32 s25;
	[sflag:s14] =	ssyncset.done $0x0  }
0x7e: {  	s22 =	sshra.s32 s22, $0x2;
	[sflag:s14] =	ssyncadd.s32 $0xFFFFC000  }
0x7f: {  	[tilespmem:s17], [sflag:$0x1] =	stream.indirect.gather [hbm4b:s4+s16], $0x80, s22, s16, $0xb8;
	[tilespmem:$0x1E800] =	vst v63  }
0x80: {  	s23 =	sadd.s32 $0x80, s22  }
0x81: {  	[tilespmem:s18], [sflag:$0x2] =	stream.indirect.gather [hbm4b:s4+s16], $0x80, s23, s16, $0xb8;
	[tilespmem:$0x1E800] =	vst v63  }
0x82: {  	_ =	swait.ge [sflag:s19], $0x4000  }
0x83: {  	[sflag:s19] =	ssyncset.done $0x0  }
0x84: {  	[sflag:s19] =	ssyncadd.s32 $0xFFFFC000  }
0x85: {  	_ =	swait.ge [sflag:s20], $0x4000  }
0x86: {  	[sflag:s20] =	ssyncset.done $0x0  }
0x87: {  	s31 =	sadd.s32 $0x1400, s22;
	[sflag:s20] =	ssyncadd.s32 $0xFFFFC000  }
0x88: {  	[spmem:s2] =	stream.indirect.scatter.add.f32 [tilespmem:s17], [sflag:$0x3], $0x80, s31, s16, $0xb8;
	[tilespmem:$0x1E800] =	vst v63  }
0x89: {  	_ =	swait.ge [sflag:s14], $0x4000  }
0x8a: {  	[sflag:s14] =	ssyncset.done $0x0  }
0x8b: {  	s22 =	sadd.s32 $0x1480, s22;
	[sflag:s14] =	ssyncadd.s32 $0xFFFFC000  }
0x8c: {  	[spmem:s2] =	stream.indirect.scatter.add.f32 [tilespmem:s18], [sflag:$0x3], $0x80, s22, s16, $0xb8;
	[tilespmem:$0x1E800] =	vst v63  }
0x8d: {  	_ =	swait.ge [sflag:s14], $0x4000  }
0x8e: {  	s21 =	sadd.s32 $0x1, s21;
	[sflag:s14] =	ssyncset.done $0x0  }
0x8f: {  	p0 =	sne.s32 s21, s12;
	[sflag:s14] =	ssyncadd.s32 $0xFFFFC000  }
.Ltmp2:
0x90: {  	[bflag:$0x0] =	sbarrier.arrive $0xFFFF;
	(pc) =	sbr.rel @p0 .LBB2_1-.Ltmp2, $4  }
0x91: {  	[hbm:s11], [sflag:s6] =	dma.local [spmem:s13], $0x2800  }
0x92: {  	_ =	swait.ge [sflag:s14], $0x2800  }
0x93: {  	[sflag:s14] =	ssyncset.done $0x0  }
0x94: {  	[sflag:s14] =	ssyncadd.s32 $0xFFFFD800  }
0x95: {  	_ =	sfence.sel $0x180000  }
0x96: {  	[bflag:$0x0] =	sbarrier.arrive $0xFFFF  }
0x97: {  	p0 =	sne.s32 s1, $0x0;
	_ =	strace $0x9000004A  }
0x98: {  	s0 =	sadd.s32 @!p0 $0x100000, s0;
	[bflag:$0x2] =	sbarrier.arrive $0xFFFF  }
0x99: {  	[sflag:s0] =	ssyncadd.tile.s32 @!p0 $0x1;
	_ =	shalt  }
.Lfunc_end2:
_tile_overlayer_lowered:
.L_overlay_start_2:
0x9a: {  	(tag) =	ssettag $0x2  }
0x9b: {  	s0 =	rddreg [dreg:$0x0];
	s2 =	stileid.u32  }
0x9c: {  	s1 =	rddreg [dreg:$0x1];
	p0 =	sne.s32 s2, $0x0  }
0x9d: {  	s3 =	rddreg [dreg:$0x2];
	[bflag:$0x3] =	sbarrier.arrive $0xFFFF;
	s2 =	simm.s32 @!p0 $0x1C03  }
0x9e: {  	[timem:s3], [sflag:s2] =	dma.local @!p0 [hbm:s0], s1  }
0x9f: {  	s0 =	simm.s32 @!p0 $0x3  }
0xa0: {  	_ =	swait.ge @!p0 [sflag:s0], s1  }
0xa1: {  	s1 =	ssub.s32 @!p0 $0x0, s1;
	[sflag:s0] =	ssyncset.done @!p0 $0x0  }
0xa2: {  	[sflag:s0] =	ssyncadd.s32 @!p0 s1  }
0xa3: {  	[bflag:$0x3] =	sbarrier.arrive $0xFFFF  }
0xa4: {  	_ =	shalt  }

// kernel: kernel.14.cloned.1.call-start
scs
__scs_entry_jumppad:
0x0: {  	(pc) =	sbr.rel $0x88, $3  }
0x1: {  	(tag) =	ssettag $0x0;
	lr =	simm.s32 $0x1  }
0x2: {  	[smem:$0x3F99] =	sst lr;
	_ =	strace $0xD0000000  }
0x3: {  	_ = 	snop  }
0x4: {  	_ = 	snop  }
0x5: {  	_ = 	snop  }
0x6: {  	_ = 	snop  }
0x7: {  	_ = 	snop  }
__scs_overlays_trampoline_lowered:
0x8: {  	[smem:$0x3FA8] =	sst s0  }
0x9: {  	[smem:$0x3FA9] =	sst s1  }
0xa: {  	[smem:$0x3FAA] =	sst s2  }
0xb: {  	[smem:$0x3FAB] =	sst s3  }
0xc: {  	[smem:$0x3FAC] =	sst s4  }
0xd: {  	[smem:$0x3FAD] =	sst s5  }
0xe: {  	[smem:$0x3FAE] =	sst s6  }
0xf: {  	[smem:$0x3FAF] =	sst s7  }
0x10: {  	[smem:$0x3FB0] =	sst s8  }
0x11: {  	[smem:$0x3FB1] =	sst s9;
	s0 =	simm.s32 @!p0 $0x0  }
0x12: {  	s1 =	sld [smem:$0x3F97];
	s0 =	simm.s32 @p0 $0x1  }
0x13: {  	[smem:$0x3FB2] =	sst s0;
	s0 =	simm.s32 @!p1 $0x0  }
0x14: {  	s2 =	sld [smem:$0x3F96];
	s0 =	simm.s32 @p1 $0x1  }
0x15: {  	[smem:$0x3FB3] =	sst s0;
	s0 =	simm.s32 @!p2 $0x0  }
0x16: {  	s3 =	sld [smem:$0x3FDB];
	s0 =	simm.s32 @p2 $0x1  }
0x17: {  	s4 =	simm.s32 $0x1BF5;
	[smem:$0x3FB5] =	sst s0  }
0x18: {  	s0 =	sld [smem:$0x3F98];
	_ =	swait.ge [sflag:s4], $0x0  }
0x19: {  	s7 =	sld [smem:$0x3F99]  }
0x1a: {  	s8 =	sadd.s32 $0xFFFFE003, lr  }
0x1b: {  	s9 =	sadd.s32 $0xFFFFFEF7, lr;
	s5 =	simm.s32 $0xFFFFFFFF;
	p2 =	slt.u32 s8, $0xFFFFF086  }
0x1c: {  	p1 =	slt.u32 s9, $0xF7A;
	s5 =	simm.s32 @!p2 $0x0  }
0x1d: {  	s5 =	simm.s32 @p1 $0x1;
	p0 =	seq.s32 s7, s2  }
0x1e: {  	s7 =	smul.u32 @!p0 $0xF7A, s2;
	p2 =	seq.s32 @!p0 s5, $0x0  }
0x1f: {  	s9 =	smul.u32 $0xF7A, s1;
	s8 =	simm.s32 @!p0 $0x1BF5;
	p2 =	por !p2, p0  }
0x20: {  	[sflag:s8] =	ssyncset.s32 @!p0 $0xFFFFF086;
	s6 =	sadd.s32 @!p0 s3, s7;
	s7 =	simm.s32 @!p0 $0x108  }
0x21: {  	s3 =	sadd.s32 s3, s9;
	s6 =	sadd.s32 @!p0 $0x88, s6;
	s7 =	simm.s32 @p2 $0x1082  }
0x22: {  	[simem:s7], [sflag:s8] =	dma.local @!p0 [hbm:s6], $0xF7A  }
0x23: {  	s9 =	sor.u32 $0xD0000000, s2;
	s6 =	simm.s32 $0x108;
	_ =	swait.ge @!p0 [sflag:s8], $0x0  }
0x24: {  	s3 =	sadd.s32 $0x88, s3;
	s6 =	simm.s32 @!p1 $0x1082;
	[sflag:s4] =	ssyncset.s32 $0xFFFFF086  }
0x25: {  	[simem:s6], [sflag:s4] =	dma.local [hbm:s3], $0xF7A  }
0x26: {  	[smem:$0x3F99] =	sst s1;
	(tag) =	ssettag s2;
	_ =	strace s9  }
0x27: {  	s1 =	sld [smem:$0x3FA9]  }
0x28: {  	s2 =	sld [smem:$0x3FAA]  }
0x29: {  	s4 =	sld [smem:$0x3FAC]  }
0x2a: {  	p0 =	seq.s32 s5, $0x0;
	s5 =	sld [smem:$0x3FAD]  }
0x2b: {  	s6 =	sld [smem:$0x3FAE]  }
0x2c: {  	s7 =	sld [smem:$0x3FAF]  }
0x2d: {  	s3 =	simm.s32 $0x108;
	s8 =	sld [smem:$0x3FB0]  }
0x2e: {  	s3 =	simm.s32 @!p0 $0x1082;
	s9 =	sld [smem:$0x3FB1]  }
0x2f: {  	lr =	sadd.s32 s0, s3;
	s0 =	sld [smem:$0x3FA8]  }
0x30: {  	s3 =	sld [smem:$0x3FAB]  }
0x31: {  	[smem:$0x3FB4] =	sst s10  }
0x32: {  	s10 =	sld [smem:$0x3FB2];
	_ =	sdelay $0x3  }
0x33: {  	p0 =	seq.s32 s10, $0x1;
	s10 =	sld [smem:$0x3FB4];
	_ =	sdelay $0x3  }
0x34: {  	[smem:$0x3FB4] =	sst s10  }
0x35: {  	s10 =	sld [smem:$0x3FB3];
	_ =	sdelay $0x3  }
0x36: {  	p1 =	seq.s32 s10, $0x1;
	s10 =	sld [smem:$0x3FB4];
	_ =	sdelay $0x3  }
0x37: {  	[smem:$0x3FB4] =	sst s10  }
0x38: {  	s10 =	sld [smem:$0x3FB5]  }
0x39: {  	_ = 	snop;
	(pc) =	sbr.ind lr, $3  }
0x3a: {  	_ = 	snop  }
0x3b: {  	_ = 	snop  }
0x3c: {  	p2 =	seq.s32 s10, $0x1;
	s10 =	sld [smem:$0x3FB4]  }
0x3d: {  	_ =	shalt  }
0x3e: {  	_ =	shalt  }
0x3f: {  	_ =	shalt  }
0x40: {  	_ =	shalt  }
0x41: {  	_ =	shalt  }
0x42: {  	_ =	shalt  }
0x43: {  	_ =	shalt  }
0x44: {  	_ =	shalt  }
0x45: {  	_ =	shalt  }
0x46: {  	_ =	shalt  }
0x47: {  	_ =	shalt  }
0x48: {  	_ =	shalt  }
0x49: {  	_ =	shalt  }
0x4a: {  	_ =	shalt  }
0x4b: {  	_ =	shalt  }
0x4c: {  	_ =	shalt  }
0x4d: {  	_ =	shalt  }
0x4e: {  	_ =	shalt  }
0x4f: {  	_ =	shalt  }
0x50: {  	_ =	shalt  }
0x51: {  	_ =	shalt  }
0x52: {  	_ =	shalt  }
0x53: {  	_ =	shalt  }
0x54: {  	_ =	shalt  }
0x55: {  	_ =	shalt  }
0x56: {  	_ =	shalt  }
0x57: {  	_ =	shalt  }
0x58: {  	_ =	shalt  }
0x59: {  	_ =	shalt  }
0x5a: {  	_ =	shalt  }
0x5b: {  	_ =	shalt  }
0x5c: {  	_ =	shalt  }
0x5d: {  	_ =	shalt  }
0x5e: {  	_ =	shalt  }
0x5f: {  	_ =	shalt  }
0x60: {  	_ =	shalt  }
0x61: {  	_ =	shalt  }
0x62: {  	_ =	shalt  }
0x63: {  	_ =	shalt  }
0x64: {  	_ =	shalt  }
0x65: {  	_ =	shalt  }
0x66: {  	_ =	shalt  }
0x67: {  	_ =	shalt  }
0x68: {  	_ =	shalt  }
0x69: {  	_ =	shalt  }
0x6a: {  	_ =	shalt  }
0x6b: {  	_ =	shalt  }
0x6c: {  	_ =	shalt  }
0x6d: {  	_ =	shalt  }
0x6e: {  	_ =	shalt  }
0x6f: {  	_ =	shalt  }
0x70: {  	_ =	shalt  }
0x71: {  	_ =	shalt  }
0x72: {  	_ =	shalt  }
0x73: {  	_ =	shalt  }
0x74: {  	_ =	shalt  }
0x75: {  	_ =	shalt  }
0x76: {  	_ =	shalt  }
0x77: {  	_ =	shalt  }
0x78: {  	_ =	shalt  }
0x79: {  	_ =	shalt  }
0x7a: {  	_ =	shalt  }
0x7b: {  	_ =	shalt  }
0x7c: {  	_ =	shalt  }
0x7d: {  	_ =	shalt  }
0x7e: {  	_ =	shalt  }
0x7f: {  	_ =	shalt  }
0x80: {  	_ =	shalt  }
0x81: {  	_ =	shalt  }
0x82: {  	_ =	shalt  }
0x83: {  	_ =	shalt  }
0x84: {  	_ =	shalt  }
0x85: {  	_ =	shalt  }
0x86: {  	_ =	shalt  }
0x87: {  	_ =	shalt  }
.Lfunc_end0:
.L_simem_size_0:
called_computation.2_lowered:
.L_overlay_start_0:
0x88: {  	s2 =	sld [smem:$0x3FD9]  }
0x89: {  	s3 =	sld [smem:$0x3FFE];
	_ =	sdelay $0x1  }
0x8a: {  	s1 =	srdreg.scid  }
0x8b: {  	s0 =	sand.u32 $0x1, s1  }
0x8c: {  	s17 =	sshll.u32 s0, $0xA;
	s2 =	sadd.s32 s3, s2  }
0x8d: {  	s2 =	sadd.s32 s2, s17  }
0x8e: {  	[smem:$0x3FC0] =	sst s2  }
0x8f: {  	_ = 	snop  }
0x90: {  	s2 =	sld [smem:$0x3FD0];
	(tm) =	ssettm $0x1  }
0x91: {  	s18 =	sld [smem:$0x3FFB];
	_ =	sdelay $0x3  }
0x92: {  	_ =	strace s18  }
0x93: {  	s3 =	sld [smem:$0x3FFC];
	_ =	sdelay $0x3  }
0x94: {  	_ =	strace s3  }
0x95: {  	s3 =	sld [smem:$0x3FFD];
	_ =	sdelay $0x3  }
0x96: {  	_ =	strace s3  }
0x97: {  	_ =	strace $0x8FFFFFFF  }
0x98: {  	s19 =	sld [smem:$0x3FDB];
	_ =	sdelay $0x1  }
0x99: {  	s4 =	simm.s32 $_scs_section_size  }
0x9a: {  	s5 =	simm.s32 $_size__tile_overlayer_lowered;
	s6 =	simm.s32 $_tile_overlayer_lowered  }
0x9b: {  	s22 =	simm.s32 $0x1BFF;
	s21 =	sshll.u32 s6, $0x1;
	s3 =	sadd.s32 s4, s19  }
0x9c: {  	s7 =	simm.s32 $0x0;
	s20 =	sshll.u32 s5, $0x1;
	s5 =	sadd.s32 s21, s3  }
0x9d: {  	[timem:s7], [sflag:s22] =	dma.local [hbm:s5], s20  }
0x9e: {  	_ =	swait.ge [sflag:s22], s20  }
0x9f: {  	s4 =	ssub.s32 $0x0, s20;
	[sflag:s22] =	ssyncset.done $0x0  }
0xa0: {  	[sflag:s22] =	ssyncadd.s32 s4;
	_ =	sdelay $0x1  }
0xa1: {  	s23 =	simm.s32 $0x1B8B  }
0xa2: {  	_ =	swait.ge [sflag:s23], $0x1  }
0xa3: {  	[sflag:s23] =	ssyncset.done $0x0  }
0xa4: {  	s25 =	simm.s32 $0x1B8E;
	s24 =	sld [smem:$0x3FFE];
	[sflag:s23] =	ssyncadd.s32 $0xFFFFFFFF  }
0xa5: {  	s26 =	simm.s32 $execute0_lowered;
	[smem:$0x3FD2] =	sst s25  }
0xa6: {  	s5 =	sshll.u32 s26, $0x1;
	_ =	strace $0x8000004C;
	[dreg:$0x1] =	wrdreg $0xFFFFFFFF  }
0xa7: {  	s28 =	simm.s32 $_size_execute0_lowered;
	s3 =	sadd.s32 s3, s5;
	[dreg:$0x0] =	wrdreg $0x0  }
0xa8: {  	s5 =	sshll.u32 s28, $0x1;
	[dreg:$0x2] =	wrdreg s3  }
0xa9: {  	[dreg:$0x3] =	wrdreg s5  }
0xaa: {  	[dreg:$0x4] =	wrdreg $0xC0  }
0xab: {  	_ =	task [dreg:s7], $0x5FFFF  }
0xac: {  	[dreg:$0x1] =	wrdreg $0xFFFFFFFF  }
0xad: {  	[dreg:$0x0] =	wrdreg $0x60  }
0xae: {  	[dreg:$0x2] =	wrdreg s24  }
0xaf: {  	[dreg:$0x3] =	wrdreg s2  }
0xb0: {  	[dreg:$0x4] =	wrdreg $0xA8000  }
0xb1: {  	[dreg:$0x5] =	wrdreg $0x9  }
0xb2: {  	_ =	task.clear_ibuf [dreg:s7], $0x6FFFF;
	_ =	strace $0x9000004C  }
0xb3: {  	s29 =	simm.s32 $0x9;
	_ =	strace $0x8000004E  }
0xb4: {  	_ =	swait.ge [sflag:s29], $0x1  }
0xb5: {  	[sflag:s29] =	ssyncadd.s32 $0xFFFFFFFF  }
0xb6: {  	_ =	strace $0x9000004E  }
0xb7: {  	_ =	sfence  }
0xb8: {  	s30 =	sld [smem:$0x0];
	_ =	sdelay $0x2  }
0xb9: {  	s31 =	sshll.u32 s1, $0xD;
	s1 =	sshrl.u32 s1, $0x2  }
0xba: {  	s3 =	sand.u32 $0x4000, s31;
	s1 =	sadd.s32 s1, s30  }
0xbb: {  	s0 =	sor.u32 s3, s0;
	s1 =	sshll.u32 s1, $0x11  }
0xbc: {  	s0 =	sor.u32 s1, s0  }
0xbd: {  	s0 =	sadd.s32 $0x8F2B, s0  }
0xbe: {  	[sflag:s0] =	ssyncadd.remote.s32 $0x1  }
0xbf: {  	_ =	sfence.sel $0xFFFF  }
0xc0: {  	[dreg:$0x0] =	wrdreg $0xFFFFFFFF;
	(pc) =	sbr.abs _section_cstart, $3  }
0xc1: {  	[dreg:$0x1] =	wrdreg $0xFFFFFFFF  }
0xc2: {  	_ =	task.clear_ibuf [dreg:s7], $0x2FFFF;
	_ =	strace $0x9FFFFFFF  }
0xc3: {  	(tm) =	ssettm $0x7FFFFFFF  }
tec
execute0_lowered:
.L_overlay_start_1:
0x0: {  	(tag) =	ssettag $0x1  }
0x1: {  	s5 =	rddreg [dreg:$0x0]  }
0x2: {  	s9 =	rddreg [dreg:$0x1]  }
0x3: {  	s2 =	rddreg [dreg:$0x2]  }
0x4: {  	s0 =	rddreg [dreg:$0x3];
	s3 =	simm.s32 $0x0;
	s1 =	stileid.u32  }
0x5: {  	s4 =	srdreg.scid;
	s15 =	simm.s32 $0x1400;
	s16 =	simm.s32 $0x80  }
0x6: {  	s17 =	simm.s32 $0x2800;
	s18 =	simm.s32 $0x6800;
	s19 =	simm.s32 $0x1  }
0x7: {  	s20 =	simm.s32 $0x2;
	s21 =	simm.s32 $0x0;
	[smem:$0x7FF] =	sst s3  }
0x8: {  	s6 =	smul.u32 $0x14000, s1;
	s7 =	sand.u32 $0x1, s4;
	s4 =	sadd.s32 $0xD000, s5  }
0x9: {  	s10 =	sadd.s32 $0x3000, s5;
	s25 =	sshll.u32 s1, $0x1;
	s13 =	smul.u32 $0x50000, s1  }
0xa: {  	s29 =	sshll.u32 s1, $0x6;
	_ =	strace $0x8000004D;
	s8 =	smul.u32 $0x140000, s7  }
0xb: {  	s12 =	ssub.s32 $0x2, s7;
	s7 =	sor.u32 s7, s25;
	s11 =	sshrl.u32 s6, $0x3  }
0xc: {  	s26 =	sshrl.u32 s12, $0x1;
	s7 =	smul.u32 $0x2800, s7;
	s28 =	sshrl.u32 s13, $0x2  }
0xd: {  	s11 =	sadd.s32 s11, s5;
	s6 =	sadd.s32 s6, s8;
	s12 =	ssub.s32 s12, s26  }
0xe: {  	s13 =	sadd.s32 s28, s2;
	s6 =	sshrl.u32 s6, $0x3;
	s30 =	sshrl.u32 s7, $0x3  }
0xf: {  	s12 =	smax.u32 s12, $0x1;
	s13 =	sshrl.u32 s13, $0x3;
	s14 =	sadd.s32 s6, s5  }
0x10: {  	s5 =	sadd.s32 $0x85000, s11;
	s6 =	sor.u32 $0x1C03, s29;
	s31 =	sadd.s32 $0x280, s30  }
0x11: {  	s7 =	sadd.s32 s9, s30;
	s8 =	sadd.s32 s10, s30;
	s9 =	sadd.s32 s9, s31  }
0x12: {  	s10 =	sadd.s32 s10, s31;
	s11 =	sadd.s32 $0xAD000, s14;
	s14 =	simm.s32 $0x3  }
.LBB2_1:
0x13: {  	[spmem:s13], [sflag:s6] =	dma.local [hbm:s5], $0x2800  }
0x14: {  	_ =	swait.ge [sflag:s14], $0x2800  }
0x15: {  	[sflag:s14] =	ssyncset.done $0x0  }
0x16: {  	[sflag:s14] =	ssyncadd.s32 $0xFFFFD800  }
0x17: {  	[bflag:$0x0] =	sbarrier.arrive $0xFFFF  }
0x18: {  	[tilespmem:s3], [sflag:$0x3] =	stream.linear.gather [hbm4b:s7+s3], $0x1400, $0x38;
	[tilespmem:$0x1E800] =	vst v63  }
0x19: {  	_ =	swait.ge [sflag:s14], $0x1400  }
0x1a: {  	[sflag:s14] =	ssyncset.done $0x0  }
0x1b: {  	[sflag:s14] =	ssyncadd.s32 $0xFFFFEC00  }
0x1c: {  	[tilespmem:s15], [sflag:$0x3] =	stream.linear.gather [hbm4b:s8+s3], $0x1400, $0x38;
	[tilespmem:$0x1E800] =	vst v63  }
0x1d: {  	_ =	swait.ge [sflag:s14], $0x1400  }
0x1e: {  	[sflag:s14] =	ssyncset.done $0x0  }
0x1f: {  	s22 =	simm.s32 $0x0;
	[sflag:s14] =	ssyncadd.s32 $0xFFFFEC00  }
0x20: {  	[tilespmem:s17], [sflag:$0x1] =	stream.indirect.gather [hbm4b:s4+s16], $0x80, s22, s16, $0xb8;
	[tilespmem:$0x1E800] =	vst v63  }
0x21: {  	s29 =	simm.s32 $0x80  }
0x22: {  	[tilespmem:s18], [sflag:$0x2] =	stream.indirect.gather [hbm4b:s4+s16], $0x80, s29, s16, $0xb8;
	[tilespmem:$0x1E800] =	vst v63  }
0x23: {  	_ =	swait.ge [sflag:s19], $0x4000  }
0x24: {  	[sflag:s19] =	ssyncset.done $0x0  }
0x25: {  	[sflag:s19] =	ssyncadd.s32 $0xFFFFC000  }
0x26: {  	_ =	swait.ge [sflag:s20], $0x4000  }
0x27: {  	[sflag:s20] =	ssyncset.done $0x0  }
0x28: {  	s30 =	simm.s32 $0x1400;
	[sflag:s20] =	ssyncadd.s32 $0xFFFFC000  }
0x29: {  	[spmem:s2] =	stream.indirect.scatter.add.f32 [tilespmem:s17], [sflag:$0x3], $0x80, s30, s16, $0xb8;
	[tilespmem:$0x1E800] =	vst v63  }
0x2a: {  	_ =	swait.ge [sflag:s14], $0x4000  }
0x2b: {  	[sflag:s14] =	ssyncset.done $0x0  }
0x2c: {  	s31 =	simm.s32 $0x1480;
	[sflag:s14] =	ssyncadd.s32 $0xFFFFC000  }
0x2d: {  	[spmem:s2] =	stream.indirect.scatter.add.f32 [tilespmem:s18], [sflag:$0x3], $0x80, s31, s16, $0xb8;
	[tilespmem:$0x1E800] =	vst v63  }
0x2e: {  	_ =	swait.ge [sflag:s14], $0x4000  }
0x2f: {  	s23 =	simm.s32 $0x800;
	s22 =	simm.s32 $0x400;
	[sflag:s14] =	ssyncset.done $0x0  }
.LBB2_2:
0x30: {  	s24 =	sshra.s32 s22, $0x2  }
0x31: {  	[sflag:s14] =	ssyncadd.s32 $0xFFFFC000;
	s22 =	smov.u32 s23;
	s25 =	sadd.s32 $0x400, s23  }
0x32: {  	[tilespmem:s17], [sflag:$0x1] =	stream.indirect.gather [hbm4b:s4+s16], $0x80, s24, s16, $0xb8;
	[tilespmem:$0x1E800] =	vst v63  }
0x33: {  	p0 =	sne.s32 s23, $0x4C00;
	s23 =	sadd.s32 $0x80, s24  }
0x34: {  	[tilespmem:s18], [sflag:$0x2] =	stream.indirect.gather [hbm4b:s4+s16], $0x80, s23, s16, $0xb8;
	[tilespmem:$0x1E800] =	vst v63  }
0x35: {  	_ =	swait.ge [sflag:s19], $0x4000  }
0x36: {  	[sflag:s19] =	ssyncset.done $0x0  }
0x37: {  	[sflag:s19] =	ssyncadd.s32 $0xFFFFC000  }
0x38: {  	_ =	swait.ge [sflag:s20], $0x4000  }
0x39: {  	[sflag:s20] =	ssyncset.done $0x0  }
0x3a: {  	s23 =	sadd.s32 $0x1400, s24;
	[sflag:s20] =	ssyncadd.s32 $0xFFFFC000  }
0x3b: {  	[spmem:s2] =	stream.indirect.scatter.add.f32 [tilespmem:s17], [sflag:$0x3], $0x80, s23, s16, $0xb8;
	[tilespmem:$0x1E800] =	vst v63  }
0x3c: {  	_ =	swait.ge [sflag:s14], $0x4000  }
.Ltmp0:
0x3d: {  	[sflag:s14] =	ssyncset.done $0x0;
	(pc) =	sbr.rel @p0 .LBB2_2-.Ltmp0, $4  }
0x3e: {  	s23 =	sadd.s32 $0x1480, s24;
	[sflag:s14] =	ssyncadd.s32 $0xFFFFC000  }
0x3f: {  	[spmem:s2] =	stream.indirect.scatter.add.f32 [tilespmem:s18], [sflag:$0x3], $0x80, s23, s16, $0xb8;
	[tilespmem:$0x1E800] =	vst v63  }
0x40: {  	_ =	swait.ge [sflag:s14], $0x4000  }
0x41: {  	s23 =	smov.u32 s25;
	[sflag:s14] =	ssyncset.done $0x0  }
0x42: {  	s22 =	sshra.s32 s22, $0x2;
	[sflag:s14] =	ssyncadd.s32 $0xFFFFC000  }
0x43: {  	[tilespmem:s17], [sflag:$0x1] =	stream.indirect.gather [hbm4b:s4+s16], $0x80, s22, s16, $0xb8;
	[tilespmem:$0x1E800] =	vst v63  }
0x44: {  	s23 =	sadd.s32 $0x80, s22  }
0x45: {  	[tilespmem:s18], [sflag:$0x2] =	stream.indirect.gather [hbm4b:s4+s16], $0x80, s23, s16, $0xb8;
	[tilespmem:$0x1E800] =	vst v63  }
0x46: {  	_ =	swait.ge [sflag:s19], $0x4000  }
0x47: {  	[sflag:s19] =	ssyncset.done $0x0  }
0x48: {  	[sflag:s19] =	ssyncadd.s32 $0xFFFFC000  }
0x49: {  	_ =	swait.ge [sflag:s20], $0x4000  }
0x4a: {  	[sflag:s20] =	ssyncset.done $0x0  }
0x4b: {  	s25 =	sadd.s32 $0x1400, s22;
	[sflag:s20] =	ssyncadd.s32 $0xFFFFC000  }
0x4c: {  	[spmem:s2] =	stream.indirect.scatter.add.f32 [tilespmem:s17], [sflag:$0x3], $0x80, s25, s16, $0xb8;
	[tilespmem:$0x1E800] =	vst v63  }
0x4d: {  	_ =	swait.ge [sflag:s14], $0x4000  }
0x4e: {  	[sflag:s14] =	ssyncset.done $0x0  }
0x4f: {  	s22 =	sadd.s32 $0x1480, s22;
	[sflag:s14] =	ssyncadd.s32 $0xFFFFC000  }
0x50: {  	[spmem:s2] =	stream.indirect.scatter.add.f32 [tilespmem:s18], [sflag:$0x3], $0x80, s22, s16, $0xb8;
	[tilespmem:$0x1E800] =	vst v63  }
0x51: {  	_ =	swait.ge [sflag:s14], $0x4000  }
0x52: {  	[sflag:s14] =	ssyncset.done $0x0  }
0x53: {  	s26 =	simm.s32 $0x0;
	[sflag:s14] =	ssyncadd.s32 $0xFFFFC000  }
0x54: {  	[tilespmem:s26], [sflag:$0x3] =	stream.linear.gather [hbm4b:s9+s26], $0x1400, $0x38;
	[tilespmem:$0x1E800] =	vst v63  }
0x55: {  	_ =	swait.ge [sflag:s14], $0x1400  }
0x56: {  	[sflag:s14] =	ssyncset.done $0x0  }
0x57: {  	[sflag:s14] =	ssyncadd.s32 $0xFFFFEC00  }
0x58: {  	[tilespmem:s15], [sflag:$0x3] =	stream.linear.gather [hbm4b:s10+s26], $0x1400, $0x38;
	[tilespmem:$0x1E800] =	vst v63  }
0x59: {  	_ =	swait.ge [sflag:s14], $0x1400  }
0x5a: {  	[sflag:s14] =	ssyncset.done $0x0  }
0x5b: {  	s28 =	simm.s32 $0x0;
	[sflag:s14] =	ssyncadd.s32 $0xFFFFEC00  }
0x5c: {  	[tilespmem:s17], [sflag:$0x1] =	stream.indirect.gather [hbm4b:s4+s16], $0x80, s28, s16, $0xb8;
	[tilespmem:$0x1E800] =	vst v63  }
0x5d: {  	s29 =	simm.s32 $0x80  }
0x5e: {  	[tilespmem:s18], [sflag:$0x2] =	stream.indirect.gather [hbm4b:s4+s16], $0x80, s29, s16, $0xb8;
	[tilespmem:$0x1E800] =	vst v63  }
0x5f: {  	_ =	swait.ge [sflag:s19], $0x4000  }
0x60: {  	[sflag:s19] =	ssyncset.done $0x0  }
0x61: {  	[sflag:s19] =	ssyncadd.s32 $0xFFFFC000  }
0x62: {  	_ =	swait.ge [sflag:s20], $0x4000  }
0x63: {  	[sflag:s20] =	ssyncset.done $0x0  }
0x64: {  	s30 =	simm.s32 $0x1400;
	[sflag:s20] =	ssyncadd.s32 $0xFFFFC000  }
0x65: {  	[spmem:s2] =	stream.indirect.scatter.add.f32 [tilespmem:s17], [sflag:$0x3], $0x80, s30, s16, $0xb8;
	[tilespmem:$0x1E800] =	vst v63  }
0x66: {  	_ =	swait.ge [sflag:s14], $0x4000  }
0x67: {  	[sflag:s14] =	ssyncset.done $0x0  }
0x68: {  	s31 =	simm.s32 $0x1480;
	[sflag:s14] =	ssyncadd.s32 $0xFFFFC000  }
0x69: {  	[spmem:s2] =	stream.indirect.scatter.add.f32 [tilespmem:s18], [sflag:$0x3], $0x80, s31, s16, $0xb8;
	[tilespmem:$0x1E800] =	vst v63  }
0x6a: {  	_ =	swait.ge [sflag:s14], $0x4000  }
0x6b: {  	s23 =	simm.s32 $0x800;
	s22 =	simm.s32 $0x400;
	[sflag:s14] =	ssyncset.done $0x0  }
.LBB2_4:
0x6c: {  	s24 =	sshra.s32 s22, $0x2  }
0x6d: {  	[sflag:s14] =	ssyncadd.s32 $0xFFFFC000;
	s22 =	smov.u32 s23;
	s25 =	sadd.s32 $0x400, s23  }
0x6e: {  	[tilespmem:s17], [sflag:$0x1] =	stream.indirect.gather [hbm4b:s4+s16], $0x80, s24, s16, $0xb8;
	[tilespmem:$0x1E800] =	vst v63  }
0x6f: {  	p0 =	sne.s32 s23, $0x4C00;
	s23 =	sadd.s32 $0x80, s24  }
0x70: {  	[tilespmem:s18], [sflag:$0x2] =	stream.indirect.gather [hbm4b:s4+s16], $0x80, s23, s16, $0xb8;
	[tilespmem:$0x1E800] =	vst v63  }
0x71: {  	_ =	swait.ge [sflag:s19], $0x4000  }
0x72: {  	[sflag:s19] =	ssyncset.done $0x0  }
0x73: {  	[sflag:s19] =	ssyncadd.s32 $0xFFFFC000  }
0x74: {  	_ =	swait.ge [sflag:s20], $0x4000  }
0x75: {  	[sflag:s20] =	ssyncset.done $0x0  }
0x76: {  	s23 =	sadd.s32 $0x1400, s24;
	[sflag:s20] =	ssyncadd.s32 $0xFFFFC000  }
0x77: {  	[spmem:s2] =	stream.indirect.scatter.add.f32 [tilespmem:s17], [sflag:$0x3], $0x80, s23, s16, $0xb8;
	[tilespmem:$0x1E800] =	vst v63  }
0x78: {  	_ =	swait.ge [sflag:s14], $0x4000  }
.Ltmp1:
0x79: {  	[sflag:s14] =	ssyncset.done $0x0;
	(pc) =	sbr.rel @p0 .LBB2_4-.Ltmp1, $4  }
0x7a: {  	s23 =	sadd.s32 $0x1480, s24;
	[sflag:s14] =	ssyncadd.s32 $0xFFFFC000  }
0x7b: {  	[spmem:s2] =	stream.indirect.scatter.add.f32 [tilespmem:s18], [sflag:$0x3], $0x80, s23, s16, $0xb8;
	[tilespmem:$0x1E800] =	vst v63  }
0x7c: {  	_ =	swait.ge [sflag:s14], $0x4000  }
0x7d: {  	s23 =	smov.u32 s25;
	[sflag:s14] =	ssyncset.done $0x0  }
0x7e: {  	s22 =	sshra.s32 s22, $0x2;
	[sflag:s14] =	ssyncadd.s32 $0xFFFFC000  }
0x7f: {  	[tilespmem:s17], [sflag:$0x1] =	stream.indirect.gather [hbm4b:s4+s16], $0x80, s22, s16, $0xb8;
	[tilespmem:$0x1E800] =	vst v63  }
0x80: {  	s23 =	sadd.s32 $0x80, s22  }
0x81: {  	[tilespmem:s18], [sflag:$0x2] =	stream.indirect.gather [hbm4b:s4+s16], $0x80, s23, s16, $0xb8;
	[tilespmem:$0x1E800] =	vst v63  }
0x82: {  	_ =	swait.ge [sflag:s19], $0x4000  }
0x83: {  	[sflag:s19] =	ssyncset.done $0x0  }
0x84: {  	[sflag:s19] =	ssyncadd.s32 $0xFFFFC000  }
0x85: {  	_ =	swait.ge [sflag:s20], $0x4000  }
0x86: {  	[sflag:s20] =	ssyncset.done $0x0  }
0x87: {  	s31 =	sadd.s32 $0x1400, s22;
	[sflag:s20] =	ssyncadd.s32 $0xFFFFC000  }
0x88: {  	[spmem:s2] =	stream.indirect.scatter.add.f32 [tilespmem:s17], [sflag:$0x3], $0x80, s31, s16, $0xb8;
	[tilespmem:$0x1E800] =	vst v63  }
0x89: {  	_ =	swait.ge [sflag:s14], $0x4000  }
0x8a: {  	[sflag:s14] =	ssyncset.done $0x0  }
0x8b: {  	s22 =	sadd.s32 $0x1480, s22;
	[sflag:s14] =	ssyncadd.s32 $0xFFFFC000  }
0x8c: {  	[spmem:s2] =	stream.indirect.scatter.add.f32 [tilespmem:s18], [sflag:$0x3], $0x80, s22, s16, $0xb8;
	[tilespmem:$0x1E800] =	vst v63  }
0x8d: {  	_ =	swait.ge [sflag:s14], $0x4000  }
0x8e: {  	s21 =	sadd.s32 $0x1, s21;
	[sflag:s14] =	ssyncset.done $0x0  }
0x8f: {  	p0 =	sne.s32 s21, s12;
	[sflag:s14] =	ssyncadd.s32 $0xFFFFC000  }
.Ltmp2:
0x90: {  	[bflag:$0x0] =	sbarrier.arrive $0xFFFF;
	(pc) =	sbr.rel @p0 .LBB2_1-.Ltmp2, $4  }
0x91: {  	[hbm:s11], [sflag:s6] =	dma.local [spmem:s13], $0x2800  }
0x92: {  	_ =	swait.ge [sflag:s14], $0x2800  }
0x93: {  	[sflag:s14] =	ssyncset.done $0x0  }
0x94: {  	[sflag:s14] =	ssyncadd.s32 $0xFFFFD800  }
0x95: {  	_ =	sfence.sel $0x180000  }
0x96: {  	[bflag:$0x0] =	sbarrier.arrive $0xFFFF  }
0x97: {  	p0 =	sne.s32 s1, $0x0;
	_ =	strace $0x9000004D  }
0x98: {  	s0 =	sadd.s32 @!p0 $0x100000, s0;
	[bflag:$0x2] =	sbarrier.arrive $0xFFFF  }
0x99: {  	[sflag:s0] =	ssyncadd.tile.s32 @!p0 $0x1;
	_ =	shalt  }
.Lfunc_end2:
_tile_overlayer_lowered:
.L_overlay_start_2:
0x9a: {  	(tag) =	ssettag $0x2  }
0x9b: {  	s0 =	rddreg [dreg:$0x0];
	s2 =	stileid.u32  }
0x9c: {  	s1 =	rddreg [dreg:$0x1];
	p0 =	sne.s32 s2, $0x0  }
0x9d: {  	s3 =	rddreg [dreg:$0x2];
	[bflag:$0x3] =	sbarrier.arrive $0xFFFF;
	s2 =	simm.s32 @!p0 $0x1C03  }
0x9e: {  	[timem:s3], [sflag:s2] =	dma.local @!p0 [hbm:s0], s1  }
0x9f: {  	s0 =	simm.s32 @!p0 $0x3  }
0xa0: {  	_ =	swait.ge @!p0 [sflag:s0], s1  }
0xa1: {  	s1 =	ssub.s32 @!p0 $0x0, s1;
	[sflag:s0] =	ssyncset.done @!p0 $0x0  }
0xa2: {  	[sflag:s0] =	ssyncadd.s32 @!p0 s1  }
0xa3: {  	[bflag:$0x3] =	sbarrier.arrive $0xFFFF  }
0xa4: {  	_ =	shalt  }

// kernel: kernel.8.cloned.1.call-start
scs
__scs_entry_jumppad:
0x0: {  	(pc) =	sbr.rel $0x88, $3  }
0x1: {  	(tag) =	ssettag $0x0;
	lr =	simm.s32 $0x1  }
0x2: {  	[smem:$0x3F99] =	sst lr;
	_ =	strace $0xD0000000  }
0x3: {  	_ = 	snop  }
0x4: {  	_ = 	snop  }
0x5: {  	_ = 	snop  }
0x6: {  	_ = 	snop  }
0x7: {  	_ = 	snop  }
__scs_overlays_trampoline_lowered:
0x8: {  	[smem:$0x3FA8] =	sst s0  }
0x9: {  	[smem:$0x3FA9] =	sst s1  }
0xa: {  	[smem:$0x3FAA] =	sst s2  }
0xb: {  	[smem:$0x3FAB] =	sst s3  }
0xc: {  	[smem:$0x3FAC] =	sst s4  }
0xd: {  	[smem:$0x3FAD] =	sst s5  }
0xe: {  	[smem:$0x3FAE] =	sst s6  }
0xf: {  	[smem:$0x3FAF] =	sst s7  }
0x10: {  	[smem:$0x3FB0] =	sst s8  }
0x11: {  	[smem:$0x3FB1] =	sst s9;
	s0 =	simm.s32 @!p0 $0x0  }
0x12: {  	s1 =	sld [smem:$0x3F97];
	s0 =	simm.s32 @p0 $0x1  }
0x13: {  	[smem:$0x3FB2] =	sst s0;
	s0 =	simm.s32 @!p1 $0x0  }
0x14: {  	s2 =	sld [smem:$0x3F96];
	s0 =	simm.s32 @p1 $0x1  }
0x15: {  	[smem:$0x3FB3] =	sst s0;
	s0 =	simm.s32 @!p2 $0x0  }
0x16: {  	s3 =	sld [smem:$0x3FDB];
	s0 =	simm.s32 @p2 $0x1  }
0x17: {  	s4 =	simm.s32 $0x1BF5;
	[smem:$0x3FB5] =	sst s0  }
0x18: {  	s0 =	sld [smem:$0x3F98];
	_ =	swait.ge [sflag:s4], $0x0  }
0x19: {  	s7 =	sld [smem:$0x3F99]  }
0x1a: {  	s8 =	sadd.s32 $0xFFFFE003, lr  }
0x1b: {  	s9 =	sadd.s32 $0xFFFFFEF7, lr;
	s5 =	simm.s32 $0xFFFFFFFF;
	p2 =	slt.u32 s8, $0xFFFFF086  }
0x1c: {  	p1 =	slt.u32 s9, $0xF7A;
	s5 =	simm.s32 @!p2 $0x0  }
0x1d: {  	s5 =	simm.s32 @p1 $0x1;
	p0 =	seq.s32 s7, s2  }
0x1e: {  	s7 =	smul.u32 @!p0 $0xF7A, s2;
	p2 =	seq.s32 @!p0 s5, $0x0  }
0x1f: {  	s9 =	smul.u32 $0xF7A, s1;
	s8 =	simm.s32 @!p0 $0x1BF5;
	p2 =	por !p2, p0  }
0x20: {  	[sflag:s8] =	ssyncset.s32 @!p0 $0xFFFFF086;
	s6 =	sadd.s32 @!p0 s3, s7;
	s7 =	simm.s32 @!p0 $0x108  }
0x21: {  	s3 =	sadd.s32 s3, s9;
	s6 =	sadd.s32 @!p0 $0x88, s6;
	s7 =	simm.s32 @p2 $0x1082  }
0x22: {  	[simem:s7], [sflag:s8] =	dma.local @!p0 [hbm:s6], $0xF7A  }
0x23: {  	s9 =	sor.u32 $0xD0000000, s2;
	s6 =	simm.s32 $0x108;
	_ =	swait.ge @!p0 [sflag:s8], $0x0  }
0x24: {  	s3 =	sadd.s32 $0x88, s3;
	s6 =	simm.s32 @!p1 $0x1082;
	[sflag:s4] =	ssyncset.s32 $0xFFFFF086  }
0x25: {  	[simem:s6], [sflag:s4] =	dma.local [hbm:s3], $0xF7A  }
0x26: {  	[smem:$0x3F99] =	sst s1;
	(tag) =	ssettag s2;
	_ =	strace s9  }
0x27: {  	s1 =	sld [smem:$0x3FA9]  }
0x28: {  	s2 =	sld [smem:$0x3FAA]  }
0x29: {  	s4 =	sld [smem:$0x3FAC]  }
0x2a: {  	p0 =	seq.s32 s5, $0x0;
	s5 =	sld [smem:$0x3FAD]  }
0x2b: {  	s6 =	sld [smem:$0x3FAE]  }
0x2c: {  	s7 =	sld [smem:$0x3FAF]  }
0x2d: {  	s3 =	simm.s32 $0x108;
	s8 =	sld [smem:$0x3FB0]  }
0x2e: {  	s3 =	simm.s32 @!p0 $0x1082;
	s9 =	sld [smem:$0x3FB1]  }
0x2f: {  	lr =	sadd.s32 s0, s3;
	s0 =	sld [smem:$0x3FA8]  }
0x30: {  	s3 =	sld [smem:$0x3FAB]  }
0x31: {  	[smem:$0x3FB4] =	sst s10  }
0x32: {  	s10 =	sld [smem:$0x3FB2];
	_ =	sdelay $0x3  }
0x33: {  	p0 =	seq.s32 s10, $0x1;
	s10 =	sld [smem:$0x3FB4];
	_ =	sdelay $0x3  }
0x34: {  	[smem:$0x3FB4] =	sst s10  }
0x35: {  	s10 =	sld [smem:$0x3FB3];
	_ =	sdelay $0x3  }
0x36: {  	p1 =	seq.s32 s10, $0x1;
	s10 =	sld [smem:$0x3FB4];
	_ =	sdelay $0x3  }
0x37: {  	[smem:$0x3FB4] =	sst s10  }
0x38: {  	s10 =	sld [smem:$0x3FB5]  }
0x39: {  	_ = 	snop;
	(pc) =	sbr.ind lr, $3  }
0x3a: {  	_ = 	snop  }
0x3b: {  	_ = 	snop  }
0x3c: {  	p2 =	seq.s32 s10, $0x1;
	s10 =	sld [smem:$0x3FB4]  }
0x3d: {  	_ =	shalt  }
0x3e: {  	_ =	shalt  }
0x3f: {  	_ =	shalt  }
0x40: {  	_ =	shalt  }
0x41: {  	_ =	shalt  }
0x42: {  	_ =	shalt  }
0x43: {  	_ =	shalt  }
0x44: {  	_ =	shalt  }
0x45: {  	_ =	shalt  }
0x46: {  	_ =	shalt  }
0x47: {  	_ =	shalt  }
0x48: {  	_ =	shalt  }
0x49: {  	_ =	shalt  }
0x4a: {  	_ =	shalt  }
0x4b: {  	_ =	shalt  }
0x4c: {  	_ =	shalt  }
0x4d: {  	_ =	shalt  }
0x4e: {  	_ =	shalt  }
0x4f: {  	_ =	shalt  }
0x50: {  	_ =	shalt  }
0x51: {  	_ =	shalt  }
0x52: {  	_ =	shalt  }
0x53: {  	_ =	shalt  }
0x54: {  	_ =	shalt  }
0x55: {  	_ =	shalt  }
0x56: {  	_ =	shalt  }
0x57: {  	_ =	shalt  }
0x58: {  	_ =	shalt  }
0x59: {  	_ =	shalt  }
0x5a: {  	_ =	shalt  }
0x5b: {  	_ =	shalt  }
0x5c: {  	_ =	shalt  }
0x5d: {  	_ =	shalt  }
0x5e: {  	_ =	shalt  }
0x5f: {  	_ =	shalt  }
0x60: {  	_ =	shalt  }
0x61: {  	_ =	shalt  }
0x62: {  	_ =	shalt  }
0x63: {  	_ =	shalt  }
0x64: {  	_ =	shalt  }
0x65: {  	_ =	shalt  }
0x66: {  	_ =	shalt  }
0x67: {  	_ =	shalt  }
0x68: {  	_ =	shalt  }
0x69: {  	_ =	shalt  }
0x6a: {  	_ =	shalt  }
0x6b: {  	_ =	shalt  }
0x6c: {  	_ =	shalt  }
0x6d: {  	_ =	shalt  }
0x6e: {  	_ =	shalt  }
0x6f: {  	_ =	shalt  }
0x70: {  	_ =	shalt  }
0x71: {  	_ =	shalt  }
0x72: {  	_ =	shalt  }
0x73: {  	_ =	shalt  }
0x74: {  	_ =	shalt  }
0x75: {  	_ =	shalt  }
0x76: {  	_ =	shalt  }
0x77: {  	_ =	shalt  }
0x78: {  	_ =	shalt  }
0x79: {  	_ =	shalt  }
0x7a: {  	_ =	shalt  }
0x7b: {  	_ =	shalt  }
0x7c: {  	_ =	shalt  }
0x7d: {  	_ =	shalt  }
0x7e: {  	_ =	shalt  }
0x7f: {  	_ =	shalt  }
0x80: {  	_ =	shalt  }
0x81: {  	_ =	shalt  }
0x82: {  	_ =	shalt  }
0x83: {  	_ =	shalt  }
0x84: {  	_ =	shalt  }
0x85: {  	_ =	shalt  }
0x86: {  	_ =	shalt  }
0x87: {  	_ =	shalt  }
.Lfunc_end0:
.L_simem_size_0:
called_computation_lowered:
.L_overlay_start_0:
0x88: {  	s2 =	sld [smem:$0x3FD9]  }
0x89: {  	s3 =	sld [smem:$0x3FFE];
	_ =	sdelay $0x1  }
0x8a: {  	s1 =	srdreg.scid  }
0x8b: {  	s0 =	sand.u32 $0x1, s1  }
0x8c: {  	s16 =	sshll.u32 s0, $0xA;
	s2 =	sadd.s32 s3, s2  }
0x8d: {  	s2 =	sadd.s32 s2, s16  }
0x8e: {  	[smem:$0x3FC0] =	sst s2  }
0x8f: {  	_ = 	snop  }
0x90: {  	(tm) =	ssettm $0x1  }
0x91: {  	s17 =	sld [smem:$0x3FFB];
	_ =	sdelay $0x3  }
0x92: {  	_ =	strace s17  }
0x93: {  	s2 =	sld [smem:$0x3FFC];
	_ =	sdelay $0x3  }
0x94: {  	_ =	strace s2  }
0x95: {  	s2 =	sld [smem:$0x3FFD];
	_ =	sdelay $0x3  }
0x96: {  	_ =	strace s2  }
0x97: {  	_ =	strace $0x8FFFFFFF  }
0x98: {  	s18 =	sld [smem:$0x3FDB];
	_ =	sdelay $0x1  }
0x99: {  	s19 =	simm.s32 $_scs_section_size  }
0x9a: {  	s4 =	simm.s32 $_size__tile_overlayer_lowered;
	s5 =	simm.s32 $_tile_overlayer_lowered  }
0x9b: {  	s22 =	simm.s32 $0x1BFF;
	s21 =	sshll.u32 s5, $0x1;
	s2 =	sadd.s32 s19, s18  }
0x9c: {  	s6 =	simm.s32 $0x0;
	s20 =	sshll.u32 s4, $0x1;
	s4 =	sadd.s32 s21, s2  }
0x9d: {  	[timem:s6], [sflag:s22] =	dma.local [hbm:s4], s20  }
0x9e: {  	_ =	swait.ge [sflag:s22], s20  }
0x9f: {  	s3 =	ssub.s32 $0x0, s20;
	[sflag:s22] =	ssyncset.done $0x0  }
0xa0: {  	[sflag:s22] =	ssyncadd.s32 s3;
	_ =	sdelay $0x1  }
0xa1: {  	s23 =	simm.s32 $0x1B8B  }
0xa2: {  	_ =	swait.ge [sflag:s23], $0x1  }
0xa3: {  	[sflag:s23] =	ssyncset.done $0x0  }
0xa4: {  	s25 =	simm.s32 $0x1B8E;
	s24 =	sld [smem:$0x3FFE];
	[sflag:s23] =	ssyncadd.s32 $0xFFFFFFFF  }
0xa5: {  	s26 =	simm.s32 $execute0_lowered;
	[smem:$0x3FD2] =	sst s25  }
0xa6: {  	s4 =	sshll.u32 s26, $0x1;
	_ =	strace $0x80000046;
	[dreg:$0x1] =	wrdreg $0xFFFFFFFF  }
0xa7: {  	s28 =	simm.s32 $_size_execute0_lowered;
	s2 =	sadd.s32 s2, s4;
	[dreg:$0x0] =	wrdreg $0x0  }
0xa8: {  	s4 =	sshll.u32 s28, $0x1;
	[dreg:$0x2] =	wrdreg s2  }
0xa9: {  	[dreg:$0x3] =	wrdreg s4  }
0xaa: {  	[dreg:$0x4] =	wrdreg $0xC0  }
0xab: {  	_ =	task [dreg:s6], $0x5FFFF  }
0xac: {  	[dreg:$0x1] =	wrdreg $0xFFFFFFFF  }
0xad: {  	[dreg:$0x0] =	wrdreg $0x60  }
0xae: {  	[dreg:$0x2] =	wrdreg s24  }
0xaf: {  	[dreg:$0x3] =	wrdreg $0x68000  }
0xb0: {  	[dreg:$0x4] =	wrdreg $0x9  }
0xb1: {  	_ =	task.clear_ibuf [dreg:s6], $0x5FFFF;
	_ =	strace $0x90000046  }
0xb2: {  	s29 =	simm.s32 $0x9;
	_ =	strace $0x80000048  }
0xb3: {  	_ =	swait.ge [sflag:s29], $0x1  }
0xb4: {  	[sflag:s29] =	ssyncadd.s32 $0xFFFFFFFF  }
0xb5: {  	_ =	strace $0x90000048  }
0xb6: {  	_ =	sfence  }
0xb7: {  	s30 =	sld [smem:$0x0];
	_ =	sdelay $0x2  }
0xb8: {  	s31 =	sshll.u32 s1, $0xD;
	s1 =	sshrl.u32 s1, $0x2  }
0xb9: {  	s3 =	sand.u32 $0x4000, s31;
	s1 =	sadd.s32 s1, s30  }
0xba: {  	s0 =	sor.u32 s3, s0;
	s1 =	sshll.u32 s1, $0x11  }
0xbb: {  	s0 =	sor.u32 s1, s0  }
0xbc: {  	s0 =	sadd.s32 $0x8F2B, s0  }
0xbd: {  	[sflag:s0] =	ssyncadd.remote.s32 $0x1  }
0xbe: {  	_ =	sfence.sel $0xFFFF  }
0xbf: {  	[dreg:$0x0] =	wrdreg $0xFFFFFFFF;
	(pc) =	sbr.abs _section_cstart, $3  }
0xc0: {  	[dreg:$0x1] =	wrdreg $0xFFFFFFFF  }
0xc1: {  	_ =	task.clear_ibuf [dreg:s6], $0x2FFFF;
	_ =	strace $0x9FFFFFFF  }
0xc2: {  	(tm) =	ssettm $0x7FFFFFFF  }
0xc3: {  	_ =	shalt  }
tec
execute0_lowered:
.L_overlay_start_1:
0x0: {  	(tag) =	ssettag $0x1  }
0x1: {  	s1 =	srdreg.scid;
	s5 =	rddreg [dreg:$0x0]  }
0x2: {  	s0 =	stileid.u32;
	s2 =	rddreg [dreg:$0x1]  }
0x3: {  	s3 =	simm.s32 $0x0;
	s12 =	simm.s32 $0x2800;
	s13 =	simm.s32 $0x0  }
0x4: {  	s4 =	sand.u32 $0x1, s1;
	s28 =	sshll.u32 s0, $0x1;
	s7 =	smul.u32 $0x14000, s0  }
0x5: {  	[smem:$0x7FF] =	sst s3;
	s29 =	smul.u32 $0x50000, s0;
	s31 =	sshll.u32 s0, $0x6  }
0x6: {  	s1 =	sor.u32 s4, s28;
	s8 =	smul.u32 $0x140000, s4;
	s4 =	ssub.s32 $0x2, s4  }
0x7: {  	s6 =	smul.u32 $0x500, s1;
	s1 =	rddreg [dreg:$0x2];
	_ =	strace $0x80000047  }
0x8: {  	s9 =	sshrl.u32 s7, $0x3;
	s10 =	sshrl.u32 s4, $0x1;
	s30 =	sshrl.u32 s29, $0x2  }
0x9: {  	s7 =	sadd.s32 s7, s8;
	s9 =	sadd.s32 s9, s5;
	s10 =	ssub.s32 s4, s10  }
0xa: {  	s11 =	sadd.s32 s30, s2;
	s6 =	sadd.s32 s6, s5;
	s7 =	sshrl.u32 s7, $0x3  }
0xb: {  	s8 =	simm.s32 $0x1;
	s7 =	sadd.s32 s7, s5;
	s4 =	sadd.s32 $0x3000, s6  }
0xc: {  	s5 =	sadd.s32 $0xD000, s9;
	s9 =	sor.u32 $0x1C01, s31;
	s6 =	sadd.s32 $0x35000, s7  }
0xd: {  	v0 =	vimm.f32 $1.000000000e+00;
	s7 =	smax.u32 s10, $0x1;
	s10 =	sshrl.u32 s11, $0x3;
	s11 =	simm.s32 $0x80  }
.LBB2_1:
0xe: {  	[tilespmem:s3], [sflag:$0x1] =	stream.linear.gather [hbm4b:s4+s3], $0x2800, $0x38;
	[tilespmem:$0x9000] =	vst v63  }
0xf: {  	_ =	swait.ge [sflag:s8], $0x2800  }
0x10: {  	[sflag:s8] =	ssyncset.done $0x0  }
0x11: {  	s14 =	simm.s32 $0x200;
	s15 =	simm.s32 $0x0;
	[sflag:s8] =	ssyncadd.s32 $0xFFFFD800  }
.LBB2_2:
0x12: {  	p0 =	sne.s32 s14, $0xFE00;
	[tilespmem:s15+$0x2800] =	vst v0;
	s15 =	smov.u32 s14;
	s14 =	sadd.s32 $0x200, s14  }
.Ltmp0:
0x13: {  	(pc) =	sbr.rel @p0 .LBB2_2-.Ltmp0, $2  }
0x14: {  	_ =	sdelay $0x2  }
0x15: {  	s15 =	sshra.s32 s15, $0x2  }
0x16: {  	[tilespmem:s15+$0x2800] =	vst v0  }
0x17: {  	[spmem:s10], [sflag:s9] =	dma.local [hbm:s5], $0x2800  }
0x18: {  	_ =	swait.ge [sflag:s8], $0x2800  }
0x19: {  	[sflag:s8] =	ssyncset.done $0x0  }
0x1a: {  	[sflag:s8] =	ssyncadd.s32 $0xFFFFD800  }
0x1b: {  	s14 =	simm.s32 $0x0;
	[bflag:$0x0] =	sbarrier.arrive $0xFFFF  }
0x1c: {  	[spmem:s2] =	stream.indirect.scatter.add.f32 [tilespmem:s12], [sflag:$0x1], $0x10, s14, s11, $0xb8;
	[tilespmem:$0x9000] =	vst v63  }
0x1d: {  	_ =	swait.ge [sflag:s8], $0x800  }
0x1e: {  	s14 =	simm.s32 $0x200;
	[sflag:s8] =	ssyncset.done $0x0  }
.LBB2_4:
0x1f: {  	s15 =	sshra.s32 s14, $0x2;
	[sflag:s8] =	ssyncadd.s32 $0xFFFFF800;
	p0 =	sne.s32 s14, $0x9E00  }
0x20: {  	[spmem:s2] =	stream.indirect.scatter.add.f32 [tilespmem:s12], [sflag:$0x1], $0x10, s15, s11, $0xb8;
	[tilespmem:$0x9000] =	vst v63  }
.Ltmp1:
0x21: {  	_ = 	snop;
	(pc) =	sbr.rel @p0 .LBB2_4-.Ltmp1, $4  }
0x22: {  	_ = 	snop  }
0x23: {  	s14 =	sadd.s32 $0x200, s14  }
0x24: {  	_ =	swait.ge [sflag:s8], $0x800  }
0x25: {  	[sflag:s8] =	ssyncset.done $0x0  }
0x26: {  	s13 =	sadd.s32 $0x1, s13  }
0x27: {  	[sflag:s8] =	ssyncadd.s32 $0xFFFFF800;
	p0 =	sne.s32 s13, s7  }
.Ltmp2:
0x28: {  	[bflag:$0x0] =	sbarrier.arrive $0xFFFF;
	(pc) =	sbr.rel @p0 .LBB2_1-.Ltmp2, $4  }
0x29: {  	[hbm:s6], [sflag:s9] =	dma.local [spmem:s10], $0x2800  }
0x2a: {  	_ =	swait.ge [sflag:s8], $0x2800  }
0x2b: {  	[sflag:s8] =	ssyncset.done $0x0  }
0x2c: {  	[sflag:s8] =	ssyncadd.s32 $0xFFFFD800  }
0x2d: {  	_ =	sfence.sel $0x180000  }
0x2e: {  	[bflag:$0x0] =	sbarrier.arrive $0xFFFF  }
0x2f: {  	p0 =	sne.s32 s0, $0x0;
	_ =	strace $0x90000047  }
0x30: {  	s0 =	sadd.s32 @!p0 $0x100000, s1;
	[bflag:$0x2] =	sbarrier.arrive $0xFFFF  }
0x31: {  	[sflag:s0] =	ssyncadd.tile.s32 @!p0 $0x1;
	_ =	shalt  }
.Lfunc_end2:
_tile_overlayer_lowered:
.L_overlay_start_2:
0x32: {  	(tag) =	ssettag $0x2  }
0x33: {  	s0 =	rddreg [dreg:$0x0];
	s2 =	stileid.u32  }
0x34: {  	s1 =	rddreg [dreg:$0x1];
	p0 =	sne.s32 s2, $0x0  }
0x35: {  	s3 =	rddreg [dreg:$0x2];
	[bflag:$0x3] =	sbarrier.arrive $0xFFFF;
	s2 =	simm.s32 @!p0 $0x1C01  }
0x36: {  	[timem:s3], [sflag:s2] =	dma.local @!p0 [hbm:s0], s1  }
0x37: {  	s0 =	simm.s32 @!p0 $0x1  }
0x38: {  	_ =	swait.ge @!p0 [sflag:s0], s1  }
0x39: {  	s1 =	ssub.s32 @!p0 $0x0, s1;
	[sflag:s0] =	ssyncset.done @!p0 $0x0  }
0x3a: {  	[sflag:s0] =	ssyncadd.s32 @!p0 s1  }
0x3b: {  	[bflag:$0x3] =	sbarrier.arrive $0xFFFF  }
0x3c: {  	_ =	shalt  }

</sc_bundles>
